<compile_context>
chip_gen: v7x
topology: tpu7x:2x2x1
jax: 0.10.2.dev20260603
libtpu: 0.0.44.dev20260713+nightly
codegen_flags: <defaults>
</compile_context>

<pallas_src>
import jax
import jax.numpy as jnp
from jax import lax
from jax.experimental import pallas as pl
from jax.experimental.pallas import tpu as pltpu
from jax.experimental.pallas import tpu_sc as plsc

D_MODEL = 64
BATCH = 16384
SEQ_LEN = 200
B_TOTAL = BATCH * SEQ_LEN

_NC = 2
_NS = 16
_NW = _NC * _NS

_B_PER_W = B_TOTAL // _NW
_CHUNK = 320
_N_CHUNKS = _B_PER_W // _CHUNK
_R = 4
_N_OUTER = _N_CHUNKS // _R


def _gather_kernel(pe_hbm, idx_hbm, out_hbm,
                   table_sh, idx_v, rows_v, sem_i, sem_g, sem_w):
    sid = lax.axis_index("s")
    wid = sid * _NC + lax.axis_index("c")
    base0 = wid * _B_PER_W

    @pl.when(sid == 0)
    def _():
        pltpu.sync_copy(pe_hbm, table_sh)

    plsc.subcore_barrier()

    def fire_idx(g, r):
        off = pl.multiple_of(base0 + g * _CHUNK, _CHUNK)
        pltpu.async_copy(idx_hbm.at[pl.ds(off, _CHUNK)], idx_v.at[r],
                         sem_i.at[r])

    def drain_idx(r):
        pltpu.make_async_copy(idx_hbm.at[pl.ds(0, _CHUNK)], idx_v.at[r],
                              sem_i.at[r]).wait()

    def fire_gather(g, r):
        pltpu.async_copy(table_sh.at[idx_v.at[r]], rows_v.at[r], sem_g.at[r])

    def drain_gather(r):
        pltpu.make_async_copy(pe_hbm.at[pl.ds(0, _CHUNK)], rows_v.at[r],
                              sem_g.at[r]).wait()

    def fire_write(g, r):
        base = pl.multiple_of(base0 + g * _CHUNK, _CHUNK)
        pltpu.async_copy(rows_v.at[r], out_hbm.at[pl.ds(base, _CHUNK)],
                         sem_w.at[r])

    def drain_write(r):
        pltpu.make_async_copy(pe_hbm.at[pl.ds(0, _CHUNK)], rows_v.at[r],
                              sem_w.at[r]).wait()

    fire_idx(0, 0)

    def body(t, _):
        g_base = t * _R
        for r in range(_R):
            g = g_base + r
            r_next = (r + 1) % _R
            r_prev = (r - 1) % _R

            if r == _R - 1:
                drain_write(r_next)

                @pl.when(t < _N_OUTER - 1)
                def _():
                    fire_idx(g + 1, r_next)
            else:

                @pl.when(t > 0)
                def _():
                    drain_write(r_next)

                fire_idx(g + 1, r_next)

            drain_idx(r)
            fire_gather(g, r)

            if r == 0:

                @pl.when(t > 0)
                def _():
                    drain_gather(r_prev)
                    fire_write(g - 1, r_prev)
            else:
                drain_gather(r_prev)
                fire_write(g - 1, r_prev)
        return ()

    lax.fori_loop(0, _N_OUTER, body, (), unroll=False)

    drain_gather(_R - 1)
    fire_write(_N_CHUNKS - 1, _R - 1)
    for r in range(1, _R):
        drain_write(r)


@jax.jit
def _temporal_embedding(positions, pe):
    idx1d = positions.reshape(B_TOTAL)
    mesh = plsc.VectorSubcoreMesh(core_axis_name="c", subcore_axis_name="s")
    out = pl.kernel(
        _gather_kernel,
        out_type=jax.ShapeDtypeStruct((B_TOTAL, D_MODEL), jnp.float32),
        mesh=mesh,
        scratch_types=[
            pltpu.VMEM_SHARED((10000, D_MODEL), jnp.float32),
            pltpu.VMEM((_R, _CHUNK), jnp.int32),
            pltpu.VMEM((_R, _CHUNK, D_MODEL), jnp.float32),
            pltpu.SemaphoreType.DMA((_R,)),
            pltpu.SemaphoreType.DMA((_R,)),
            pltpu.SemaphoreType.DMA((_R,)),
        ],
        compiler_params=pltpu.CompilerParams(use_tc_tiling_on_sc=False),
    )(pe, idx1d)
    return out.reshape(BATCH, SEQ_LEN, D_MODEL)


def kernel(positions, pe):
    return _temporal_embedding(positions.astype(jnp.int32), pe)

# --- scband reference (transcript-rebuilt; emitter-appended) ---
"""Pipeline reference for scband-temporal-embedding-7181185319628 (READ-ONLY COPY).

The authoritative reference and input builder live on the scoring server;
editing this copy changes nothing except your own understanding.
"""

import jax, jax.numpy as jnp
import numpy as np

D_MODEL = 64
MAX_LEN = 10000
BATCH = 16384
SEQ_LEN = 200

def _build_pe(max_len, d_model):
    pe = np.zeros((max_len, d_model), dtype=np.float32)
    position = np.arange(0, max_len, dtype=np.float32)[:, None]
    div_term = np.exp(np.arange(0, d_model, 2, dtype=np.float32) * (-np.log(10000.0) / d_model))
    pe[:, 0::2] = np.sin(position * div_term)
    pe[:, 1::2] = np.cos(position * div_term)
    return jnp.asarray(pe)

def setup_inputs(seed: int = 0) -> dict:
    key = jax.random.key(seed)
    positions = jax.random.randint(key, (BATCH, SEQ_LEN), 0, MAX_LEN, dtype=jnp.int64 if jax.config.jax_enable_x64 else jnp.int32)
    pe = _build_pe(MAX_LEN, D_MODEL)
    return {"positions": positions, "pe": pe}

def reference(positions, pe):
    # Faithful translation of TemporalEmbedding.forward: gather rows of the
    # sinusoidal table by integer position indices.
    return jnp.take(pe, positions, axis=0)

if __name__ == "__main__":
    import jax
    _d = setup_inputs()
    print(jax.jit(kernel)(*tuple(_d.values())))

</pallas_src>

<mosaic_0001>
#map = affine_map<(d0, d1) -> (0, 0)>
#map1 = affine_map<(d0, d1) -> (0)>
module attributes {stable_mosaic.version = 14 : i64} {
  func.func @_gather_kernel(%arg0: i32, %arg1: i32, %arg2: memref<10000x64xf32, #tpu.memory_space<hbm>>, %arg3: memref<3276800xi32, #tpu.memory_space<hbm>>, %arg4: memref<3276800x64xf32, #tpu.memory_space<hbm>>, %arg5: memref<10000x64xf32, #tpu.memory_space<vmem_shared>>, %arg6: memref<4x320xi32, #tpu.memory_space<vmem>>, %arg7: memref<4x320x64xf32, #tpu.memory_space<vmem>>, %arg8: memref<4x!tpu.dma_semaphore, #tpu.memory_space<semaphore_mem>>, %arg9: memref<4x!tpu.dma_semaphore, #tpu.memory_space<semaphore_mem>>, %arg10: memref<4x!tpu.dma_semaphore, #tpu.memory_space<semaphore_mem>>) attributes {dimension_semantics = [#tpu.dimension_semantics<core_parallel>, #tpu.dimension_semantics<subcore_parallel>], iteration_bounds = array<i64: 2, 16>, scalar_prefetch = 0 : i64, scratch_operands = 6 : i64, tpu.core_type = #tpu.core_type<sc_vector_subcore>, window_params = [{transform_indices = #map}, {transform_indices = #map1}, {transform_indices = #map}]} {
    %mul3A = arith.constant 2 : i32
    %mul3A_0 = arith.muli %arg1, %mul3A : i32
    %add3A = arith.addi %mul3A_0, %arg0 : i32
    %mul3A_1 = arith.constant 102400 : i32
    %mul3A_2 = arith.muli %add3A, %mul3A_1 : i32
    %eq3A = arith.constant 0 : i32
    %eq3A_3 = arith.cmpi eq, %arg1, %eq3A : i32
    %convert_element_type3A = arith.extui %eq3A_3 : i1 to i32
    %cond3A = arith.constant 0 : i32
    %cond3A_4 = arith.cmpi ne, %convert_element_type3A, %cond3A : i32
    scf.if %cond3A_4 {
      "tpu.region"() ({
        %run_scoped3A = tpu.sem_alloc : memref<!tpu.dma_semaphore, #tpu.memory_space<semaphore_mem>>
        tpu.enqueue_dma source(%arg2 : memref<10000x64xf32, #tpu.memory_space<hbm>>) target(%arg5 : memref<10000x64xf32, #tpu.memory_space<vmem_shared>>) target_semaphore(%run_scoped3A : memref<!tpu.dma_semaphore, #tpu.memory_space<semaphore_mem>>)
        tpu.wait_dma2 semaphore(%run_scoped3A : memref<!tpu.dma_semaphore, #tpu.memory_space<semaphore_mem>>) src(%arg2 : memref<10000x64xf32, #tpu.memory_space<hbm>>) dst(%arg5 : memref<10000x64xf32, #tpu.memory_space<vmem_shared>>)
        tpu.yield
      }) : () -> ()
    } else {
    }
    %barrier3A = arith.constant 0 : index
    tpu.barrier barrier_id(%barrier3A)
    %add3A_5 = arith.constant 0 : i32
    %add3A_6 = arith.addi %mul3A_2, %add3A_5 : i32
    %multiple_of3A = tpu.assume_multiple %add3A_6, 320 : i32
    %dma_start3A = arith.constant 0 : i32
    %dma_start3A_7 = arith.constant 0 : i32
    %dma_start3A_8 = arith.constant 0 : i32
    %dma_start3A_9 = tpu.memref_slice %arg6[%dma_start3A, %dma_start3A_8] : memref<4x320xi32, #tpu.memory_space<vmem>> -> memref<1x320xi32, #tpu.memory_space<vmem>>
    %dma_start3A_10 = tpu.memref_squeeze %dma_start3A_9 : memref<1x320xi32, #tpu.memory_space<vmem>> -> memref<320xi32, #tpu.memory_space<vmem>>
    %dma_start3A_11 = tpu.memref_slice %arg3[%multiple_of3A] : memref<3276800xi32, #tpu.memory_space<hbm>> -> memref<320xi32, #tpu.memory_space<hbm>>
    %dma_start3A_12 = tpu.memref_slice %arg8[%dma_start3A_7] : memref<4x!tpu.dma_semaphore, #tpu.memory_space<semaphore_mem>> -> memref<1x!tpu.dma_semaphore, #tpu.memory_space<semaphore_mem>>
    %dma_start3A_13 = tpu.memref_squeeze %dma_start3A_12 : memref<1x!tpu.dma_semaphore, #tpu.memory_space<semaphore_mem>> -> memref<!tpu.dma_semaphore, #tpu.memory_space<semaphore_mem>>
    %dma_start3A_14 = arith.constant 0 : i32
    %dma_start3A_15 = tpu.memref_slice %arg6[%dma_start3A, %dma_start3A_14] : memref<4x320xi32, #tpu.memory_space<vmem>> -> memref<1x320xi32, #tpu.memory_space<vmem>>
    %dma_start3A_16 = tpu.memref_squeeze %dma_start3A_15 : memref<1x320xi32, #tpu.memory_space<vmem>> -> memref<320xi32, #tpu.memory_space<vmem>>
    %dma_start3A_17 = tpu.memref_slice %arg3[%multiple_of3A] : memref<3276800xi32, #tpu.memory_space<hbm>> -> memref<320xi32, #tpu.memory_space<hbm>>
    tpu.enqueue_dma source(%dma_start3A_17 : memref<320xi32, #tpu.memory_space<hbm>>) target(%dma_start3A_16 : memref<320xi32, #tpu.memory_space<vmem>>) target_semaphore(%dma_start3A_13 : memref<!tpu.dma_semaphore, #tpu.memory_space<semaphore_mem>>)
    %scan3A = arith.constant 0 : i32
    %scan3A_18 = arith.constant 80 : i32
    %scan3A_19 = arith.addi %scan3A, %scan3A_18 : i32
    %scan3A_20 = arith.constant 1 : i32
    scf.for %scan3A_112 = %scan3A to %scan3A_19 step %scan3A_20  : i32 {
      %mul3A_113 = arith.constant 4 : i32
      %mul3A_114 = arith.muli %scan3A_112, %mul3A_113 : i32
      %add3A_115 = arith.constant 0 : i32
      %add3A_116 = arith.addi %mul3A_114, %add3A_115 : i32
      %gt3A = arith.constant 0 : i32
      %gt3A_117 = arith.cmpi sgt, %scan3A_112, %gt3A : i32
      %convert_element_type3A_118 = arith.extui %gt3A_117 : i1 to i32
      %cond3A_119 = arith.constant 0 : i32
      %cond3A_120 = arith.cmpi ne, %convert_element_type3A_118, %cond3A_119 : i32
      scf.if %cond3A_120 {
        %dma_wait3A_453 = arith.constant 1 : i32
        %dma_wait3A_454 = arith.constant 1 : i32
        %dma_wait3A_455 = arith.constant 0 : i32
        %dma_wait3A_456 = arith.constant 0 : i32
        %dma_wait3A_457 = tpu.memref_slice %arg7[%dma_wait3A_453, %dma_wait3A_455, %dma_wait3A_456] : memref<4x320x64xf32, #tpu.memory_space<vmem>> -> memref<1x320x64xf32, #tpu.memory_space<vmem>>
        %dma_wait3A_458 = tpu.memref_squeeze %dma_wait3A_457 : memref<1x320x64xf32, #tpu.memory_space<vmem>> -> memref<320x64xf32, #tpu.memory_space<vmem>>
        %dma_wait3A_459 = arith.constant 0 : i32
        %dma_wait3A_460 = arith.constant 0 : i32
        %dma_wait3A_461 = tpu.memref_slice %arg2[%dma_wait3A_459, %dma_wait3A_460] : memref<10000x64xf32, #tpu.memory_space<hbm>> -> memref<320x64xf32, #tpu.memory_space<hbm>>
        %dma_wait3A_462 = tpu.memref_slice %arg10[%dma_wait3A_454] : memref<4x!tpu.dma_semaphore, #tpu.memory_space<semaphore_mem>> -> memref<1x!tpu.dma_semaphore, #tpu.memory_space<semaphore_mem>>
        %dma_wait3A_463 = tpu.memref_squeeze %dma_wait3A_462 : memref<1x!tpu.dma_semaphore, #tpu.memory_space<semaphore_mem>> -> memref<!tpu.dma_semaphore, #tpu.memory_space<semaphore_mem>>
        %dma_wait3A_464 = arith.constant 0 : i32
        %dma_wait3A_465 = arith.constant 0 : i32
        %dma_wait3A_466 = tpu.memref_slice %arg7[%dma_wait3A_453, %dma_wait3A_464, %dma_wait3A_465] : memref<4x320x64xf32, #tpu.memory_space<vmem>> -> memref<1x320x64xf32, #tpu.memory_space<vmem>>
        %dma_wait3A_467 = tpu.memref_squeeze %dma_wait3A_466 : memref<1x320x64xf32, #tpu.memory_space<vmem>> -> memref<320x64xf32, #tpu.memory_space<vmem>>
        %dma_wait3A_468 = arith.constant 0 : i32
        %dma_wait3A_469 = arith.constant 0 : i32
        %dma_wait3A_470 = tpu.memref_slice %arg2[%dma_wait3A_468, %dma_wait3A_469] : memref<10000x64xf32, #tpu.memory_space<hbm>> -> memref<320x64xf32, #tpu.memory_space<hbm>>
        tpu.wait_dma2 semaphore(%dma_wait3A_463 : memref<!tpu.dma_semaphore, #tpu.memory_space<semaphore_mem>>) src(%dma_wait3A_470 : memref<320x64xf32, #tpu.memory_space<hbm>>) dst(%dma_wait3A_467 : memref<320x64xf32, #tpu.memory_space<vmem>>)
      } else {
      }
      %add3A_121 = arith.constant 1 : i32
      %add3A_122 = arith.addi %add3A_116, %add3A_121 : i32
      %mul3A_123 = arith.constant 320 : i32
      %mul3A_124 = arith.muli %add3A_122, %mul3A_123 : i32
      %add3A_125 = arith.addi %mul3A_2, %mul3A_124 : i32
      %multiple_of3A_126 = tpu.assume_multiple %add3A_125, 320 : i32
      %dma_start3A_127 = arith.constant 1 : i32
      %dma_start3A_128 = arith.constant 1 : i32
      %dma_start3A_129 = arith.constant 0 : i32
      %dma_start3A_130 = tpu.memref_slice %arg6[%dma_start3A_127, %dma_start3A_129] : memref<4x320xi32, #tpu.memory_space<vmem>> -> memref<1x320xi32, #tpu.memory_space<vmem>>
      %dma_start3A_131 = tpu.memref_squeeze %dma_start3A_130 : memref<1x320xi32, #tpu.memory_space<vmem>> -> memref<320xi32, #tpu.memory_space<vmem>>
      %dma_start3A_132 = tpu.memref_slice %arg3[%multiple_of3A_126] : memref<3276800xi32, #tpu.memory_space<hbm>> -> memref<320xi32, #tpu.memory_space<hbm>>
      %dma_start3A_133 = tpu.memref_slice %arg8[%dma_start3A_128] : memref<4x!tpu.dma_semaphore, #tpu.memory_space<semaphore_mem>> -> memref<1x!tpu.dma_semaphore, #tpu.memory_space<semaphore_mem>>
      %dma_start3A_134 = tpu.memref_squeeze %dma_start3A_133 : memref<1x!tpu.dma_semaphore, #tpu.memory_space<semaphore_mem>> -> memref<!tpu.dma_semaphore, #tpu.memory_space<semaphore_mem>>
      %dma_start3A_135 = arith.constant 0 : i32
      %dma_start3A_136 = tpu.memref_slice %arg6[%dma_start3A_127, %dma_start3A_135] : memref<4x320xi32, #tpu.memory_space<vmem>> -> memref<1x320xi32, #tpu.memory_space<vmem>>
      %dma_start3A_137 = tpu.memref_squeeze %dma_start3A_136 : memref<1x320xi32, #tpu.memory_space<vmem>> -> memref<320xi32, #tpu.memory_space<vmem>>
      %dma_start3A_138 = tpu.memref_slice %arg3[%multiple_of3A_126] : memref<3276800xi32, #tpu.memory_space<hbm>> -> memref<320xi32, #tpu.memory_space<hbm>>
      tpu.enqueue_dma source(%dma_start3A_138 : memref<320xi32, #tpu.memory_space<hbm>>) target(%dma_start3A_137 : memref<320xi32, #tpu.memory_space<vmem>>) target_semaphore(%dma_start3A_134 : memref<!tpu.dma_semaphore, #tpu.memory_space<semaphore_mem>>)
      %dma_wait3A_139 = arith.constant 0 : i32
      %dma_wait3A_140 = arith.constant 0 : i32
      %dma_wait3A_141 = arith.constant 0 : i32
      %dma_wait3A_142 = tpu.memref_slice %arg6[%dma_wait3A_139, %dma_wait3A_141] : memref<4x320xi32, #tpu.memory_space<vmem>> -> memref<1x320xi32, #tpu.memory_space<vmem>>
      %dma_wait3A_143 = tpu.memref_squeeze %dma_wait3A_142 : memref<1x320xi32, #tpu.memory_space<vmem>> -> memref<320xi32, #tpu.memory_space<vmem>>
      %dma_wait3A_144 = arith.constant 0 : i32
      %dma_wait3A_145 = tpu.memref_slice %arg3[%dma_wait3A_144] : memref<3276800xi32, #tpu.memory_space<hbm>> -> memref<320xi32, #tpu.memory_space<hbm>>
      %dma_wait3A_146 = tpu.memref_slice %arg8[%dma_wait3A_140] : memref<4x!tpu.dma_semaphore, #tpu.memory_space<semaphore_mem>> -> memref<1x!tpu.dma_semaphore, #tpu.memory_space<semaphore_mem>>
      %dma_wait3A_147 = tpu.memref_squeeze %dma_wait3A_146 : memref<1x!tpu.dma_semaphore, #tpu.memory_space<semaphore_mem>> -> memref<!tpu.dma_semaphore, #tpu.memory_space<semaphore_mem>>
      %dma_wait3A_148 = arith.constant 0 : i32
      %dma_wait3A_149 = tpu.memref_slice %arg6[%dma_wait3A_139, %dma_wait3A_148] : memref<4x320xi32, #tpu.memory_space<vmem>> -> memref<1x320xi32, #tpu.memory_space<vmem>>
      %dma_wait3A_150 = tpu.memref_squeeze %dma_wait3A_149 : memref<1x320xi32, #tpu.memory_space<vmem>> -> memref<320xi32, #tpu.memory_space<vmem>>
      %dma_wait3A_151 = arith.constant 0 : i32
      %dma_wait3A_152 = tpu.memref_slice %arg3[%dma_wait3A_151] : memref<3276800xi32, #tpu.memory_space<hbm>> -> memref<320xi32, #tpu.memory_space<hbm>>
      tpu.wait_dma2 semaphore(%dma_wait3A_147 : memref<!tpu.dma_semaphore, #tpu.memory_space<semaphore_mem>>) src(%dma_wait3A_152 : memref<320xi32, #tpu.memory_space<hbm>>) dst(%dma_wait3A_150 : memref<320xi32, #tpu.memory_space<vmem>>)
      %dma_start3A_153 = arith.constant 0 : i32
      %dma_start3A_154 = arith.constant 0 : i32
      %dma_start3A_155 = arith.constant 0 : i32
      %dma_start3A_156 = arith.constant 0 : i32
      %dma_start3A_157 = arith.constant 0 : i32
      %dma_start3A_158 = tpu.memref_slice %arg7[%dma_start3A_154, %dma_start3A_156, %dma_start3A_157] : memref<4x320x64xf32, #tpu.memory_space<vmem>> -> memref<1x320x64xf32, #tpu.memory_space<vmem>>
      %dma_start3A_159 = tpu.memref_squeeze %dma_start3A_158 : memref<1x320x64xf32, #tpu.memory_space<vmem>> -> memref<320x64xf32, #tpu.memory_space<vmem>>
      %dma_start3A_160 = arith.constant 0 : i32
      %dma_start3A_161 = tpu.memref_slice %arg6[%dma_start3A_153, %dma_start3A_160] : memref<4x320xi32, #tpu.memory_space<vmem>> -> memref<1x320xi32, #tpu.memory_space<vmem>>
      %dma_start3A_162 = tpu.memref_squeeze %dma_start3A_161 : memref<1x320xi32, #tpu.memory_space<vmem>> -> memref<320xi32, #tpu.memory_space<vmem>>
      %dma_start3A_163 = arith.constant 0 : i32
      %dma_start3A_164 = arith.constant 0 : i32
      %dma_start3A_165 = tpu.memref_slice %arg5[%dma_start3A_163, %dma_start3A_164] : memref<10000x64xf32, #tpu.memory_space<vmem_shared>> -> memref<10000x64xf32, #tpu.memory_space<vmem_shared>>
      %dma_start3A_166 = tpu.memref_slice %arg9[%dma_start3A_155] : memref<4x!tpu.dma_semaphore, #tpu.memory_space<semaphore_mem>> -> memref<1x!tpu.dma_semaphore, #tpu.memory_space<semaphore_mem>>
      %dma_start3A_167 = tpu.memref_squeeze %dma_start3A_166 : memref<1x!tpu.dma_semaphore, #tpu.memory_space<semaphore_mem>> -> memref<!tpu.dma_semaphore, #tpu.memory_space<semaphore_mem>>
      tpu.enqueue_indirect_dma source(%dma_start3A_165 : memref<10000x64xf32, #tpu.memory_space<vmem_shared>>) target(%dma_start3A_159 : memref<320x64xf32, #tpu.memory_space<vmem>>) offsets(%dma_start3A_162 : memref<320xi32, #tpu.memory_space<vmem>>) semaphore(%dma_start3A_167 : memref<!tpu.dma_semaphore, #tpu.memory_space<semaphore_mem>>)
      %gt3A_168 = arith.constant 0 : i32
      %gt3A_169 = arith.cmpi sgt, %scan3A_112, %gt3A_168 : i32
      %convert_element_type3A_170 = arith.extui %gt3A_169 : i1 to i32
      %cond3A_171 = arith.constant 0 : i32
      %cond3A_172 = arith.cmpi ne, %convert_element_type3A_170, %cond3A_171 : i32
      scf.if %cond3A_172 {
        %dma_wait3A_453 = arith.constant 3 : i32
        %dma_wait3A_454 = arith.constant 3 : i32
        %dma_wait3A_455 = arith.constant 0 : i32
        %dma_wait3A_456 = arith.constant 0 : i32
        %dma_wait3A_457 = tpu.memref_slice %arg7[%dma_wait3A_453, %dma_wait3A_455, %dma_wait3A_456] : memref<4x320x64xf32, #tpu.memory_space<vmem>> -> memref<1x320x64xf32, #tpu.memory_space<vmem>>
        %dma_wait3A_458 = tpu.memref_squeeze %dma_wait3A_457 : memref<1x320x64xf32, #tpu.memory_space<vmem>> -> memref<320x64xf32, #tpu.memory_space<vmem>>
        %dma_wait3A_459 = arith.constant 0 : i32
        %dma_wait3A_460 = arith.constant 0 : i32
        %dma_wait3A_461 = tpu.memref_slice %arg2[%dma_wait3A_459, %dma_wait3A_460] : memref<10000x64xf32, #tpu.memory_space<hbm>> -> memref<320x64xf32, #tpu.memory_space<hbm>>
        %dma_wait3A_462 = tpu.memref_slice %arg9[%dma_wait3A_454] : memref<4x!tpu.dma_semaphore, #tpu.memory_space<semaphore_mem>> -> memref<1x!tpu.dma_semaphore, #tpu.memory_space<semaphore_mem>>
        %dma_wait3A_463 = tpu.memref_squeeze %dma_wait3A_462 : memref<1x!tpu.dma_semaphore, #tpu.memory_space<semaphore_mem>> -> memref<!tpu.dma_semaphore, #tpu.memory_space<semaphore_mem>>
        %dma_wait3A_464 = arith.constant 0 : i32
        %dma_wait3A_465 = arith.constant 0 : i32
        %dma_wait3A_466 = tpu.memref_slice %arg7[%dma_wait3A_453, %dma_wait3A_464, %dma_wait3A_465] : memref<4x320x64xf32, #tpu.memory_space<vmem>> -> memref<1x320x64xf32, #tpu.memory_space<vmem>>
        %dma_wait3A_467 = tpu.memref_squeeze %dma_wait3A_466 : memref<1x320x64xf32, #tpu.memory_space<vmem>> -> memref<320x64xf32, #tpu.memory_space<vmem>>
        %dma_wait3A_468 = arith.constant 0 : i32
        %dma_wait3A_469 = arith.constant 0 : i32
        %dma_wait3A_470 = tpu.memref_slice %arg2[%dma_wait3A_468, %dma_wait3A_469] : memref<10000x64xf32, #tpu.memory_space<hbm>> -> memref<320x64xf32, #tpu.memory_space<hbm>>
        tpu.wait_dma2 semaphore(%dma_wait3A_463 : memref<!tpu.dma_semaphore, #tpu.memory_space<semaphore_mem>>) src(%dma_wait3A_470 : memref<320x64xf32, #tpu.memory_space<hbm>>) dst(%dma_wait3A_467 : memref<320x64xf32, #tpu.memory_space<vmem>>)
        %sub3A_471 = arith.constant 1 : i32
        %sub3A_472 = arith.subi %add3A_116, %sub3A_471 : i32
        %mul3A_473 = arith.constant 320 : i32
        %mul3A_474 = arith.muli %sub3A_472, %mul3A_473 : i32
        %add3A_475 = arith.addi %mul3A_2, %mul3A_474 : i32
        %multiple_of3A_476 = tpu.assume_multiple %add3A_475, 320 : i32
        %dma_start3A_477 = arith.constant 3 : i32
        %dma_start3A_478 = arith.constant 3 : i32
        %dma_start3A_479 = arith.constant 0 : i32
        %dma_start3A_480 = arith.constant 0 : i32
        %dma_start3A_481 = tpu.memref_slice %arg7[%dma_start3A_477, %dma_start3A_479, %dma_start3A_480] : memref<4x320x64xf32, #tpu.memory_space<vmem>> -> memref<1x320x64xf32, #tpu.memory_space<vmem>>
        %dma_start3A_482 = tpu.memref_squeeze %dma_start3A_481 : memref<1x320x64xf32, #tpu.memory_space<vmem>> -> memref<320x64xf32, #tpu.memory_space<vmem>>
        %dma_start3A_483 = arith.constant 0 : i32
        %dma_start3A_484 = tpu.memref_slice %arg4[%multiple_of3A_476, %dma_start3A_483] : memref<3276800x64xf32, #tpu.memory_space<hbm>> -> memref<320x64xf32, #tpu.memory_space<hbm>>
        %dma_start3A_485 = tpu.memref_slice %arg10[%dma_start3A_478] : memref<4x!tpu.dma_semaphore, #tpu.memory_space<semaphore_mem>> -> memref<1x!tpu.dma_semaphore, #tpu.memory_space<semaphore_mem>>
        %dma_start3A_486 = tpu.memref_squeeze %dma_start3A_485 : memref<1x!tpu.dma_semaphore, #tpu.memory_space<semaphore_mem>> -> memref<!tpu.dma_semaphore, #tpu.memory_space<semaphore_mem>>
        %dma_start3A_487 = arith.constant 0 : i32
        %dma_start3A_488 = tpu.memref_slice %arg4[%multiple_of3A_476, %dma_start3A_487] : memref<3276800x64xf32, #tpu.memory_space<hbm>> -> memref<320x64xf32, #tpu.memory_space<hbm>>
        %dma_start3A_489 = arith.constant 0 : i32
        %dma_start3A_490 = arith.constant 0 : i32
        %dma_start3A_491 = tpu.memref_slice %arg7[%dma_start3A_477, %dma_start3A_489, %dma_start3A_490] : memref<4x320x64xf32, #tpu.memory_space<vmem>> -> memref<1x320x64xf32, #tpu.memory_space<vmem>>
        %dma_start3A_492 = tpu.memref_squeeze %dma_start3A_491 : memref<1x320x64xf32, #tpu.memory_space<vmem>> -> memref<320x64xf32, #tpu.memory_space<vmem>>
        tpu.enqueue_dma source(%dma_start3A_492 : memref<320x64xf32, #tpu.memory_space<vmem>>) target(%dma_start3A_488 : memref<320x64xf32, #tpu.memory_space<hbm>>) target_semaphore(%dma_start3A_486 : memref<!tpu.dma_semaphore, #tpu.memory_space<semaphore_mem>>)
      } else {
      }
      %add3A_173 = arith.constant 1 : i32
      %add3A_174 = arith.addi %mul3A_114, %add3A_173 : i32
      %gt3A_175 = arith.constant 0 : i32
      %gt3A_176 = arith.cmpi sgt, %scan3A_112, %gt3A_175 : i32
      %convert_element_type3A_177 = arith.extui %gt3A_176 : i1 to i32
      %cond3A_178 = arith.constant 0 : i32
      %cond3A_179 = arith.cmpi ne, %convert_element_type3A_177, %cond3A_178 : i32
      scf.if %cond3A_179 {
        %dma_wait3A_453 = arith.constant 2 : i32
        %dma_wait3A_454 = arith.constant 2 : i32
        %dma_wait3A_455 = arith.constant 0 : i32
        %dma_wait3A_456 = arith.constant 0 : i32
        %dma_wait3A_457 = tpu.memref_slice %arg7[%dma_wait3A_453, %dma_wait3A_455, %dma_wait3A_456] : memref<4x320x64xf32, #tpu.memory_space<vmem>> -> memref<1x320x64xf32, #tpu.memory_space<vmem>>
        %dma_wait3A_458 = tpu.memref_squeeze %dma_wait3A_457 : memref<1x320x64xf32, #tpu.memory_space<vmem>> -> memref<320x64xf32, #tpu.memory_space<vmem>>
        %dma_wait3A_459 = arith.constant 0 : i32
        %dma_wait3A_460 = arith.constant 0 : i32
        %dma_wait3A_461 = tpu.memref_slice %arg2[%dma_wait3A_459, %dma_wait3A_460] : memref<10000x64xf32, #tpu.memory_space<hbm>> -> memref<320x64xf32, #tpu.memory_space<hbm>>
        %dma_wait3A_462 = tpu.memref_slice %arg10[%dma_wait3A_454] : memref<4x!tpu.dma_semaphore, #tpu.memory_space<semaphore_mem>> -> memref<1x!tpu.dma_semaphore, #tpu.memory_space<semaphore_mem>>
        %dma_wait3A_463 = tpu.memref_squeeze %dma_wait3A_462 : memref<1x!tpu.dma_semaphore, #tpu.memory_space<semaphore_mem>> -> memref<!tpu.dma_semaphore, #tpu.memory_space<semaphore_mem>>
        %dma_wait3A_464 = arith.constant 0 : i32
        %dma_wait3A_465 = arith.constant 0 : i32
        %dma_wait3A_466 = tpu.memref_slice %arg7[%dma_wait3A_453, %dma_wait3A_464, %dma_wait3A_465] : memref<4x320x64xf32, #tpu.memory_space<vmem>> -> memref<1x320x64xf32, #tpu.memory_space<vmem>>
        %dma_wait3A_467 = tpu.memref_squeeze %dma_wait3A_466 : memref<1x320x64xf32, #tpu.memory_space<vmem>> -> memref<320x64xf32, #tpu.memory_space<vmem>>
        %dma_wait3A_468 = arith.constant 0 : i32
        %dma_wait3A_469 = arith.constant 0 : i32
        %dma_wait3A_470 = tpu.memref_slice %arg2[%dma_wait3A_468, %dma_wait3A_469] : memref<10000x64xf32, #tpu.memory_space<hbm>> -> memref<320x64xf32, #tpu.memory_space<hbm>>
        tpu.wait_dma2 semaphore(%dma_wait3A_463 : memref<!tpu.dma_semaphore, #tpu.memory_space<semaphore_mem>>) src(%dma_wait3A_470 : memref<320x64xf32, #tpu.memory_space<hbm>>) dst(%dma_wait3A_467 : memref<320x64xf32, #tpu.memory_space<vmem>>)
      } else {
      }
      %add3A_180 = arith.constant 1 : i32
      %add3A_181 = arith.addi %add3A_174, %add3A_180 : i32
      %mul3A_182 = arith.constant 320 : i32
      %mul3A_183 = arith.muli %add3A_181, %mul3A_182 : i32
      %add3A_184 = arith.addi %mul3A_2, %mul3A_183 : i32
      %multiple_of3A_185 = tpu.assume_multiple %add3A_184, 320 : i32
      %dma_start3A_186 = arith.constant 2 : i32
      %dma_start3A_187 = arith.constant 2 : i32
      %dma_start3A_188 = arith.constant 0 : i32
      %dma_start3A_189 = tpu.memref_slice %arg6[%dma_start3A_186, %dma_start3A_188] : memref<4x320xi32, #tpu.memory_space<vmem>> -> memref<1x320xi32, #tpu.memory_space<vmem>>
      %dma_start3A_190 = tpu.memref_squeeze %dma_start3A_189 : memref<1x320xi32, #tpu.memory_space<vmem>> -> memref<320xi32, #tpu.memory_space<vmem>>
      %dma_start3A_191 = tpu.memref_slice %arg3[%multiple_of3A_185] : memref<3276800xi32, #tpu.memory_space<hbm>> -> memref<320xi32, #tpu.memory_space<hbm>>
      %dma_start3A_192 = tpu.memref_slice %arg8[%dma_start3A_187] : memref<4x!tpu.dma_semaphore, #tpu.memory_space<semaphore_mem>> -> memref<1x!tpu.dma_semaphore, #tpu.memory_space<semaphore_mem>>
      %dma_start3A_193 = tpu.memref_squeeze %dma_start3A_192 : memref<1x!tpu.dma_semaphore, #tpu.memory_space<semaphore_mem>> -> memref<!tpu.dma_semaphore, #tpu.memory_space<semaphore_mem>>
      %dma_start3A_194 = arith.constant 0 : i32
      %dma_start3A_195 = tpu.memref_slice %arg6[%dma_start3A_186, %dma_start3A_194] : memref<4x320xi32, #tpu.memory_space<vmem>> -> memref<1x320xi32, #tpu.memory_space<vmem>>
      %dma_start3A_196 = tpu.memref_squeeze %dma_start3A_195 : memref<1x320xi32, #tpu.memory_space<vmem>> -> memref<320xi32, #tpu.memory_space<vmem>>
      %dma_start3A_197 = tpu.memref_slice %arg3[%multiple_of3A_185] : memref<3276800xi32, #tpu.memory_space<hbm>> -> memref<320xi32, #tpu.memory_space<hbm>>
      tpu.enqueue_dma source(%dma_start3A_197 : memref<320xi32, #tpu.memory_space<hbm>>) target(%dma_start3A_196 : memref<320xi32, #tpu.memory_space<vmem>>) target_semaphore(%dma_start3A_193 : memref<!tpu.dma_semaphore, #tpu.memory_space<semaphore_mem>>)
      %dma_wait3A_198 = arith.constant 1 : i32
      %dma_wait3A_199 = arith.constant 1 : i32
      %dma_wait3A_200 = arith.constant 0 : i32
      %dma_wait3A_201 = tpu.memref_slice %arg6[%dma_wait3A_198, %dma_wait3A_200] : memref<4x320xi32, #tpu.memory_space<vmem>> -> memref<1x320xi32, #tpu.memory_space<vmem>>
      %dma_wait3A_202 = tpu.memref_squeeze %dma_wait3A_201 : memref<1x320xi32, #tpu.memory_space<vmem>> -> memref<320xi32, #tpu.memory_space<vmem>>
      %dma_wait3A_203 = arith.constant 0 : i32
      %dma_wait3A_204 = tpu.memref_slice %arg3[%dma_wait3A_203] : memref<3276800xi32, #tpu.memory_space<hbm>> -> memref<320xi32, #tpu.memory_space<hbm>>
      %dma_wait3A_205 = tpu.memref_slice %arg8[%dma_wait3A_199] : memref<4x!tpu.dma_semaphore, #tpu.memory_space<semaphore_mem>> -> memref<1x!tpu.dma_semaphore, #tpu.memory_space<semaphore_mem>>
      %dma_wait3A_206 = tpu.memref_squeeze %dma_wait3A_205 : memref<1x!tpu.dma_semaphore, #tpu.memory_space<semaphore_mem>> -> memref<!tpu.dma_semaphore, #tpu.memory_space<semaphore_mem>>
      %dma_wait3A_207 = arith.constant 0 : i32
      %dma_wait3A_208 = tpu.memref_slice %arg6[%dma_wait3A_198, %dma_wait3A_207] : memref<4x320xi32, #tpu.memory_space<vmem>> -> memref<1x320xi32, #tpu.memory_space<vmem>>
      %dma_wait3A_209 = tpu.memref_squeeze %dma_wait3A_208 : memref<1x320xi32, #tpu.memory_space<vmem>> -> memref<320xi32, #tpu.memory_space<vmem>>
      %dma_wait3A_210 = arith.constant 0 : i32
      %dma_wait3A_211 = tpu.memref_slice %arg3[%dma_wait3A_210] : memref<3276800xi32, #tpu.memory_space<hbm>> -> memref<320xi32, #tpu.memory_space<hbm>>
      tpu.wait_dma2 semaphore(%dma_wait3A_206 : memref<!tpu.dma_semaphore, #tpu.memory_space<semaphore_mem>>) src(%dma_wait3A_211 : memref<320xi32, #tpu.memory_space<hbm>>) dst(%dma_wait3A_209 : memref<320xi32, #tpu.memory_space<vmem>>)
      %dma_start3A_212 = arith.constant 1 : i32
      %dma_start3A_213 = arith.constant 1 : i32
      %dma_start3A_214 = arith.constant 1 : i32
      %dma_start3A_215 = arith.constant 0 : i32
      %dma_start3A_216 = arith.constant 0 : i32
      %dma_start3A_217 = tpu.memref_slice %arg7[%dma_start3A_213, %dma_start3A_215, %dma_start3A_216] : memref<4x320x64xf32, #tpu.memory_space<vmem>> -> memref<1x320x64xf32, #tpu.memory_space<vmem>>
      %dma_start3A_218 = tpu.memref_squeeze %dma_start3A_217 : memref<1x320x64xf32, #tpu.memory_space<vmem>> -> memref<320x64xf32, #tpu.memory_space<vmem>>
      %dma_start3A_219 = arith.constant 0 : i32
      %dma_start3A_220 = tpu.memref_slice %arg6[%dma_start3A_212, %dma_start3A_219] : memref<4x320xi32, #tpu.memory_space<vmem>> -> memref<1x320xi32, #tpu.memory_space<vmem>>
      %dma_start3A_221 = tpu.memref_squeeze %dma_start3A_220 : memref<1x320xi32, #tpu.memory_space<vmem>> -> memref<320xi32, #tpu.memory_space<vmem>>
      %dma_start3A_222 = arith.constant 0 : i32
      %dma_start3A_223 = arith.constant 0 : i32
      %dma_start3A_224 = tpu.memref_slice %arg5[%dma_start3A_222, %dma_start3A_223] : memref<10000x64xf32, #tpu.memory_space<vmem_shared>> -> memref<10000x64xf32, #tpu.memory_space<vmem_shared>>
      %dma_start3A_225 = tpu.memref_slice %arg9[%dma_start3A_214] : memref<4x!tpu.dma_semaphore, #tpu.memory_space<semaphore_mem>> -> memref<1x!tpu.dma_semaphore, #tpu.memory_space<semaphore_mem>>
      %dma_start3A_226 = tpu.memref_squeeze %dma_start3A_225 : memref<1x!tpu.dma_semaphore, #tpu.memory_space<semaphore_mem>> -> memref<!tpu.dma_semaphore, #tpu.memory_space<semaphore_mem>>
      tpu.enqueue_indirect_dma source(%dma_start3A_224 : memref<10000x64xf32, #tpu.memory_space<vmem_shared>>) target(%dma_start3A_218 : memref<320x64xf32, #tpu.memory_space<vmem>>) offsets(%dma_start3A_221 : memref<320xi32, #tpu.memory_space<vmem>>) semaphore(%dma_start3A_226 : memref<!tpu.dma_semaphore, #tpu.memory_space<semaphore_mem>>)
      %dma_wait3A_227 = arith.constant 0 : i32
      %dma_wait3A_228 = arith.constant 0 : i32
      %dma_wait3A_229 = arith.constant 0 : i32
      %dma_wait3A_230 = arith.constant 0 : i32
      %dma_wait3A_231 = tpu.memref_slice %arg7[%dma_wait3A_227, %dma_wait3A_229, %dma_wait3A_230] : memref<4x320x64xf32, #tpu.memory_space<vmem>> -> memref<1x320x64xf32, #tpu.memory_space<vmem>>
      %dma_wait3A_232 = tpu.memref_squeeze %dma_wait3A_231 : memref<1x320x64xf32, #tpu.memory_space<vmem>> -> memref<320x64xf32, #tpu.memory_space<vmem>>
      %dma_wait3A_233 = arith.constant 0 : i32
      %dma_wait3A_234 = arith.constant 0 : i32
      %dma_wait3A_235 = tpu.memref_slice %arg2[%dma_wait3A_233, %dma_wait3A_234] : memref<10000x64xf32, #tpu.memory_space<hbm>> -> memref<320x64xf32, #tpu.memory_space<hbm>>
      %dma_wait3A_236 = tpu.memref_slice %arg9[%dma_wait3A_228] : memref<4x!tpu.dma_semaphore, #tpu.memory_space<semaphore_mem>> -> memref<1x!tpu.dma_semaphore, #tpu.memory_space<semaphore_mem>>
      %dma_wait3A_237 = tpu.memref_squeeze %dma_wait3A_236 : memref<1x!tpu.dma_semaphore, #tpu.memory_space<semaphore_mem>> -> memref<!tpu.dma_semaphore, #tpu.memory_space<semaphore_mem>>
      %dma_wait3A_238 = arith.constant 0 : i32
      %dma_wait3A_239 = arith.constant 0 : i32
      %dma_wait3A_240 = tpu.memref_slice %arg7[%dma_wait3A_227, %dma_wait3A_238, %dma_wait3A_239] : memref<4x320x64xf32, #tpu.memory_space<vmem>> -> memref<1x320x64xf32, #tpu.memory_space<vmem>>
      %dma_wait3A_241 = tpu.memref_squeeze %dma_wait3A_240 : memref<1x320x64xf32, #tpu.memory_space<vmem>> -> memref<320x64xf32, #tpu.memory_space<vmem>>
      %dma_wait3A_242 = arith.constant 0 : i32
      %dma_wait3A_243 = arith.constant 0 : i32
      %dma_wait3A_244 = tpu.memref_slice %arg2[%dma_wait3A_242, %dma_wait3A_243] : memref<10000x64xf32, #tpu.memory_space<hbm>> -> memref<320x64xf32, #tpu.memory_space<hbm>>
      tpu.wait_dma2 semaphore(%dma_wait3A_237 : memref<!tpu.dma_semaphore, #tpu.memory_space<semaphore_mem>>) src(%dma_wait3A_244 : memref<320x64xf32, #tpu.memory_space<hbm>>) dst(%dma_wait3A_241 : memref<320x64xf32, #tpu.memory_space<vmem>>)
      %sub3A = arith.constant 1 : i32
      %sub3A_245 = arith.subi %add3A_174, %sub3A : i32
      %mul3A_246 = arith.constant 320 : i32
      %mul3A_247 = arith.muli %sub3A_245, %mul3A_246 : i32
      %add3A_248 = arith.addi %mul3A_2, %mul3A_247 : i32
      %multiple_of3A_249 = tpu.assume_multiple %add3A_248, 320 : i32
      %dma_start3A_250 = arith.constant 0 : i32
      %dma_start3A_251 = arith.constant 0 : i32
      %dma_start3A_252 = arith.constant 0 : i32
      %dma_start3A_253 = arith.constant 0 : i32
      %dma_start3A_254 = tpu.memref_slice %arg7[%dma_start3A_250, %dma_start3A_252, %dma_start3A_253] : memref<4x320x64xf32, #tpu.memory_space<vmem>> -> memref<1x320x64xf32, #tpu.memory_space<vmem>>
      %dma_start3A_255 = tpu.memref_squeeze %dma_start3A_254 : memref<1x320x64xf32, #tpu.memory_space<vmem>> -> memref<320x64xf32, #tpu.memory_space<vmem>>
      %dma_start3A_256 = arith.constant 0 : i32
      %dma_start3A_257 = tpu.memref_slice %arg4[%multiple_of3A_249, %dma_start3A_256] : memref<3276800x64xf32, #tpu.memory_space<hbm>> -> memref<320x64xf32, #tpu.memory_space<hbm>>
      %dma_start3A_258 = tpu.memref_slice %arg10[%dma_start3A_251] : memref<4x!tpu.dma_semaphore, #tpu.memory_space<semaphore_mem>> -> memref<1x!tpu.dma_semaphore, #tpu.memory_space<semaphore_mem>>
      %dma_start3A_259 = tpu.memref_squeeze %dma_start3A_258 : memref<1x!tpu.dma_semaphore, #tpu.memory_space<semaphore_mem>> -> memref<!tpu.dma_semaphore, #tpu.memory_space<semaphore_mem>>
      %dma_start3A_260 = arith.constant 0 : i32
      %dma_start3A_261 = tpu.memref_slice %arg4[%multiple_of3A_249, %dma_start3A_260] : memref<3276800x64xf32, #tpu.memory_space<hbm>> -> memref<320x64xf32, #tpu.memory_space<hbm>>
      %dma_start3A_262 = arith.constant 0 : i32
      %dma_start3A_263 = arith.constant 0 : i32
      %dma_start3A_264 = tpu.memref_slice %arg7[%dma_start3A_250, %dma_start3A_262, %dma_start3A_263] : memref<4x320x64xf32, #tpu.memory_space<vmem>> -> memref<1x320x64xf32, #tpu.memory_space<vmem>>
      %dma_start3A_265 = tpu.memref_squeeze %dma_start3A_264 : memref<1x320x64xf32, #tpu.memory_space<vmem>> -> memref<320x64xf32, #tpu.memory_space<vmem>>
      tpu.enqueue_dma source(%dma_start3A_265 : memref<320x64xf32, #tpu.memory_space<vmem>>) target(%dma_start3A_261 : memref<320x64xf32, #tpu.memory_space<hbm>>) target_semaphore(%dma_start3A_259 : memref<!tpu.dma_semaphore, #tpu.memory_space<semaphore_mem>>)
      %add3A_266 = arith.constant 2 : i32
      %add3A_267 = arith.addi %mul3A_114, %add3A_266 : i32
      %gt3A_268 = arith.constant 0 : i32
      %gt3A_269 = arith.cmpi sgt, %scan3A_112, %gt3A_268 : i32
      %convert_element_type3A_270 = arith.extui %gt3A_269 : i1 to i32
      %cond3A_271 = arith.constant 0 : i32
      %cond3A_272 = arith.cmpi ne, %convert_element_type3A_270, %cond3A_271 : i32
      scf.if %cond3A_272 {
        %dma_wait3A_453 = arith.constant 3 : i32
        %dma_wait3A_454 = arith.constant 3 : i32
        %dma_wait3A_455 = arith.constant 0 : i32
        %dma_wait3A_456 = arith.constant 0 : i32
        %dma_wait3A_457 = tpu.memref_slice %arg7[%dma_wait3A_453, %dma_wait3A_455, %dma_wait3A_456] : memref<4x320x64xf32, #tpu.memory_space<vmem>> -> memref<1x320x64xf32, #tpu.memory_space<vmem>>
        %dma_wait3A_458 = tpu.memref_squeeze %dma_wait3A_457 : memref<1x320x64xf32, #tpu.memory_space<vmem>> -> memref<320x64xf32, #tpu.memory_space<vmem>>
        %dma_wait3A_459 = arith.constant 0 : i32
        %dma_wait3A_460 = arith.constant 0 : i32
        %dma_wait3A_461 = tpu.memref_slice %arg2[%dma_wait3A_459, %dma_wait3A_460] : memref<10000x64xf32, #tpu.memory_space<hbm>> -> memref<320x64xf32, #tpu.memory_space<hbm>>
        %dma_wait3A_462 = tpu.memref_slice %arg10[%dma_wait3A_454] : memref<4x!tpu.dma_semaphore, #tpu.memory_space<semaphore_mem>> -> memref<1x!tpu.dma_semaphore, #tpu.memory_space<semaphore_mem>>
        %dma_wait3A_463 = tpu.memref_squeeze %dma_wait3A_462 : memref<1x!tpu.dma_semaphore, #tpu.memory_space<semaphore_mem>> -> memref<!tpu.dma_semaphore, #tpu.memory_space<semaphore_mem>>
        %dma_wait3A_464 = arith.constant 0 : i32
        %dma_wait3A_465 = arith.constant 0 : i32
        %dma_wait3A_466 = tpu.memref_slice %arg7[%dma_wait3A_453, %dma_wait3A_464, %dma_wait3A_465] : memref<4x320x64xf32, #tpu.memory_space<vmem>> -> memref<1x320x64xf32, #tpu.memory_space<vmem>>
        %dma_wait3A_467 = tpu.memref_squeeze %dma_wait3A_466 : memref<1x320x64xf32, #tpu.memory_space<vmem>> -> memref<320x64xf32, #tpu.memory_space<vmem>>
        %dma_wait3A_468 = arith.constant 0 : i32
        %dma_wait3A_469 = arith.constant 0 : i32
        %dma_wait3A_470 = tpu.memref_slice %arg2[%dma_wait3A_468, %dma_wait3A_469] : memref<10000x64xf32, #tpu.memory_space<hbm>> -> memref<320x64xf32, #tpu.memory_space<hbm>>
        tpu.wait_dma2 semaphore(%dma_wait3A_463 : memref<!tpu.dma_semaphore, #tpu.memory_space<semaphore_mem>>) src(%dma_wait3A_470 : memref<320x64xf32, #tpu.memory_space<hbm>>) dst(%dma_wait3A_467 : memref<320x64xf32, #tpu.memory_space<vmem>>)
      } else {
      }
      %add3A_273 = arith.constant 1 : i32
      %add3A_274 = arith.addi %add3A_267, %add3A_273 : i32
      %mul3A_275 = arith.constant 320 : i32
      %mul3A_276 = arith.muli %add3A_274, %mul3A_275 : i32
      %add3A_277 = arith.addi %mul3A_2, %mul3A_276 : i32
      %multiple_of3A_278 = tpu.assume_multiple %add3A_277, 320 : i32
      %dma_start3A_279 = arith.constant 3 : i32
      %dma_start3A_280 = arith.constant 3 : i32
      %dma_start3A_281 = arith.constant 0 : i32
      %dma_start3A_282 = tpu.memref_slice %arg6[%dma_start3A_279, %dma_start3A_281] : memref<4x320xi32, #tpu.memory_space<vmem>> -> memref<1x320xi32, #tpu.memory_space<vmem>>
      %dma_start3A_283 = tpu.memref_squeeze %dma_start3A_282 : memref<1x320xi32, #tpu.memory_space<vmem>> -> memref<320xi32, #tpu.memory_space<vmem>>
      %dma_start3A_284 = tpu.memref_slice %arg3[%multiple_of3A_278] : memref<3276800xi32, #tpu.memory_space<hbm>> -> memref<320xi32, #tpu.memory_space<hbm>>
      %dma_start3A_285 = tpu.memref_slice %arg8[%dma_start3A_280] : memref<4x!tpu.dma_semaphore, #tpu.memory_space<semaphore_mem>> -> memref<1x!tpu.dma_semaphore, #tpu.memory_space<semaphore_mem>>
      %dma_start3A_286 = tpu.memref_squeeze %dma_start3A_285 : memref<1x!tpu.dma_semaphore, #tpu.memory_space<semaphore_mem>> -> memref<!tpu.dma_semaphore, #tpu.memory_space<semaphore_mem>>
      %dma_start3A_287 = arith.constant 0 : i32
      %dma_start3A_288 = tpu.memref_slice %arg6[%dma_start3A_279, %dma_start3A_287] : memref<4x320xi32, #tpu.memory_space<vmem>> -> memref<1x320xi32, #tpu.memory_space<vmem>>
      %dma_start3A_289 = tpu.memref_squeeze %dma_start3A_288 : memref<1x320xi32, #tpu.memory_space<vmem>> -> memref<320xi32, #tpu.memory_space<vmem>>
      %dma_start3A_290 = tpu.memref_slice %arg3[%multiple_of3A_278] : memref<3276800xi32, #tpu.memory_space<hbm>> -> memref<320xi32, #tpu.memory_space<hbm>>
      tpu.enqueue_dma source(%dma_start3A_290 : memref<320xi32, #tpu.memory_space<hbm>>) target(%dma_start3A_289 : memref<320xi32, #tpu.memory_space<vmem>>) target_semaphore(%dma_start3A_286 : memref<!tpu.dma_semaphore, #tpu.memory_space<semaphore_mem>>)
      %dma_wait3A_291 = arith.constant 2 : i32
      %dma_wait3A_292 = arith.constant 2 : i32
      %dma_wait3A_293 = arith.constant 0 : i32
      %dma_wait3A_294 = tpu.memref_slice %arg6[%dma_wait3A_291, %dma_wait3A_293] : memref<4x320xi32, #tpu.memory_space<vmem>> -> memref<1x320xi32, #tpu.memory_space<vmem>>
      %dma_wait3A_295 = tpu.memref_squeeze %dma_wait3A_294 : memref<1x320xi32, #tpu.memory_space<vmem>> -> memref<320xi32, #tpu.memory_space<vmem>>
      %dma_wait3A_296 = arith.constant 0 : i32
      %dma_wait3A_297 = tpu.memref_slice %arg3[%dma_wait3A_296] : memref<3276800xi32, #tpu.memory_space<hbm>> -> memref<320xi32, #tpu.memory_space<hbm>>
      %dma_wait3A_298 = tpu.memref_slice %arg8[%dma_wait3A_292] : memref<4x!tpu.dma_semaphore, #tpu.memory_space<semaphore_mem>> -> memref<1x!tpu.dma_semaphore, #tpu.memory_space<semaphore_mem>>
      %dma_wait3A_299 = tpu.memref_squeeze %dma_wait3A_298 : memref<1x!tpu.dma_semaphore, #tpu.memory_space<semaphore_mem>> -> memref<!tpu.dma_semaphore, #tpu.memory_space<semaphore_mem>>
      %dma_wait3A_300 = arith.constant 0 : i32
      %dma_wait3A_301 = tpu.memref_slice %arg6[%dma_wait3A_291, %dma_wait3A_300] : memref<4x320xi32, #tpu.memory_space<vmem>> -> memref<1x320xi32, #tpu.memory_space<vmem>>
      %dma_wait3A_302 = tpu.memref_squeeze %dma_wait3A_301 : memref<1x320xi32, #tpu.memory_space<vmem>> -> memref<320xi32, #tpu.memory_space<vmem>>
      %dma_wait3A_303 = arith.constant 0 : i32
      %dma_wait3A_304 = tpu.memref_slice %arg3[%dma_wait3A_303] : memref<3276800xi32, #tpu.memory_space<hbm>> -> memref<320xi32, #tpu.memory_space<hbm>>
      tpu.wait_dma2 semaphore(%dma_wait3A_299 : memref<!tpu.dma_semaphore, #tpu.memory_space<semaphore_mem>>) src(%dma_wait3A_304 : memref<320xi32, #tpu.memory_space<hbm>>) dst(%dma_wait3A_302 : memref<320xi32, #tpu.memory_space<vmem>>)
      %dma_start3A_305 = arith.constant 2 : i32
      %dma_start3A_306 = arith.constant 2 : i32
      %dma_start3A_307 = arith.constant 2 : i32
      %dma_start3A_308 = arith.constant 0 : i32
      %dma_start3A_309 = arith.constant 0 : i32
      %dma_start3A_310 = tpu.memref_slice %arg7[%dma_start3A_306, %dma_start3A_308, %dma_start3A_309] : memref<4x320x64xf32, #tpu.memory_space<vmem>> -> memref<1x320x64xf32, #tpu.memory_space<vmem>>
      %dma_start3A_311 = tpu.memref_squeeze %dma_start3A_310 : memref<1x320x64xf32, #tpu.memory_space<vmem>> -> memref<320x64xf32, #tpu.memory_space<vmem>>
      %dma_start3A_312 = arith.constant 0 : i32
      %dma_start3A_313 = tpu.memref_slice %arg6[%dma_start3A_305, %dma_start3A_312] : memref<4x320xi32, #tpu.memory_space<vmem>> -> memref<1x320xi32, #tpu.memory_space<vmem>>
      %dma_start3A_314 = tpu.memref_squeeze %dma_start3A_313 : memref<1x320xi32, #tpu.memory_space<vmem>> -> memref<320xi32, #tpu.memory_space<vmem>>
      %dma_start3A_315 = arith.constant 0 : i32
      %dma_start3A_316 = arith.constant 0 : i32
      %dma_start3A_317 = tpu.memref_slice %arg5[%dma_start3A_315, %dma_start3A_316] : memref<10000x64xf32, #tpu.memory_space<vmem_shared>> -> memref<10000x64xf32, #tpu.memory_space<vmem_shared>>
      %dma_start3A_318 = tpu.memref_slice %arg9[%dma_start3A_307] : memref<4x!tpu.dma_semaphore, #tpu.memory_space<semaphore_mem>> -> memref<1x!tpu.dma_semaphore, #tpu.memory_space<semaphore_mem>>
      %dma_start3A_319 = tpu.memref_squeeze %dma_start3A_318 : memref<1x!tpu.dma_semaphore, #tpu.memory_space<semaphore_mem>> -> memref<!tpu.dma_semaphore, #tpu.memory_space<semaphore_mem>>
      tpu.enqueue_indirect_dma source(%dma_start3A_317 : memref<10000x64xf32, #tpu.memory_space<vmem_shared>>) target(%dma_start3A_311 : memref<320x64xf32, #tpu.memory_space<vmem>>) offsets(%dma_start3A_314 : memref<320xi32, #tpu.memory_space<vmem>>) semaphore(%dma_start3A_319 : memref<!tpu.dma_semaphore, #tpu.memory_space<semaphore_mem>>)
      %dma_wait3A_320 = arith.constant 1 : i32
      %dma_wait3A_321 = arith.constant 1 : i32
      %dma_wait3A_322 = arith.constant 0 : i32
      %dma_wait3A_323 = arith.constant 0 : i32
      %dma_wait3A_324 = tpu.memref_slice %arg7[%dma_wait3A_320, %dma_wait3A_322, %dma_wait3A_323] : memref<4x320x64xf32, #tpu.memory_space<vmem>> -> memref<1x320x64xf32, #tpu.memory_space<vmem>>
      %dma_wait3A_325 = tpu.memref_squeeze %dma_wait3A_324 : memref<1x320x64xf32, #tpu.memory_space<vmem>> -> memref<320x64xf32, #tpu.memory_space<vmem>>
      %dma_wait3A_326 = arith.constant 0 : i32
      %dma_wait3A_327 = arith.constant 0 : i32
      %dma_wait3A_328 = tpu.memref_slice %arg2[%dma_wait3A_326, %dma_wait3A_327] : memref<10000x64xf32, #tpu.memory_space<hbm>> -> memref<320x64xf32, #tpu.memory_space<hbm>>
      %dma_wait3A_329 = tpu.memref_slice %arg9[%dma_wait3A_321] : memref<4x!tpu.dma_semaphore, #tpu.memory_space<semaphore_mem>> -> memref<1x!tpu.dma_semaphore, #tpu.memory_space<semaphore_mem>>
      %dma_wait3A_330 = tpu.memref_squeeze %dma_wait3A_329 : memref<1x!tpu.dma_semaphore, #tpu.memory_space<semaphore_mem>> -> memref<!tpu.dma_semaphore, #tpu.memory_space<semaphore_mem>>
      %dma_wait3A_331 = arith.constant 0 : i32
      %dma_wait3A_332 = arith.constant 0 : i32
      %dma_wait3A_333 = tpu.memref_slice %arg7[%dma_wait3A_320, %dma_wait3A_331, %dma_wait3A_332] : memref<4x320x64xf32, #tpu.memory_space<vmem>> -> memref<1x320x64xf32, #tpu.memory_space<vmem>>
      %dma_wait3A_334 = tpu.memref_squeeze %dma_wait3A_333 : memref<1x320x64xf32, #tpu.memory_space<vmem>> -> memref<320x64xf32, #tpu.memory_space<vmem>>
      %dma_wait3A_335 = arith.constant 0 : i32
      %dma_wait3A_336 = arith.constant 0 : i32
      %dma_wait3A_337 = tpu.memref_slice %arg2[%dma_wait3A_335, %dma_wait3A_336] : memref<10000x64xf32, #tpu.memory_space<hbm>> -> memref<320x64xf32, #tpu.memory_space<hbm>>
      tpu.wait_dma2 semaphore(%dma_wait3A_330 : memref<!tpu.dma_semaphore, #tpu.memory_space<semaphore_mem>>) src(%dma_wait3A_337 : memref<320x64xf32, #tpu.memory_space<hbm>>) dst(%dma_wait3A_334 : memref<320x64xf32, #tpu.memory_space<vmem>>)
      %sub3A_338 = arith.constant 1 : i32
      %sub3A_339 = arith.subi %add3A_267, %sub3A_338 : i32
      %mul3A_340 = arith.constant 320 : i32
      %mul3A_341 = arith.muli %sub3A_339, %mul3A_340 : i32
      %add3A_342 = arith.addi %mul3A_2, %mul3A_341 : i32
      %multiple_of3A_343 = tpu.assume_multiple %add3A_342, 320 : i32
      %dma_start3A_344 = arith.constant 1 : i32
      %dma_start3A_345 = arith.constant 1 : i32
      %dma_start3A_346 = arith.constant 0 : i32
      %dma_start3A_347 = arith.constant 0 : i32
      %dma_start3A_348 = tpu.memref_slice %arg7[%dma_start3A_344, %dma_start3A_346, %dma_start3A_347] : memref<4x320x64xf32, #tpu.memory_space<vmem>> -> memref<1x320x64xf32, #tpu.memory_space<vmem>>
      %dma_start3A_349 = tpu.memref_squeeze %dma_start3A_348 : memref<1x320x64xf32, #tpu.memory_space<vmem>> -> memref<320x64xf32, #tpu.memory_space<vmem>>
      %dma_start3A_350 = arith.constant 0 : i32
      %dma_start3A_351 = tpu.memref_slice %arg4[%multiple_of3A_343, %dma_start3A_350] : memref<3276800x64xf32, #tpu.memory_space<hbm>> -> memref<320x64xf32, #tpu.memory_space<hbm>>
      %dma_start3A_352 = tpu.memref_slice %arg10[%dma_start3A_345] : memref<4x!tpu.dma_semaphore, #tpu.memory_space<semaphore_mem>> -> memref<1x!tpu.dma_semaphore, #tpu.memory_space<semaphore_mem>>
      %dma_start3A_353 = tpu.memref_squeeze %dma_start3A_352 : memref<1x!tpu.dma_semaphore, #tpu.memory_space<semaphore_mem>> -> memref<!tpu.dma_semaphore, #tpu.memory_space<semaphore_mem>>
      %dma_start3A_354 = arith.constant 0 : i32
      %dma_start3A_355 = tpu.memref_slice %arg4[%multiple_of3A_343, %dma_start3A_354] : memref<3276800x64xf32, #tpu.memory_space<hbm>> -> memref<320x64xf32, #tpu.memory_space<hbm>>
      %dma_start3A_356 = arith.constant 0 : i32
      %dma_start3A_357 = arith.constant 0 : i32
      %dma_start3A_358 = tpu.memref_slice %arg7[%dma_start3A_344, %dma_start3A_356, %dma_start3A_357] : memref<4x320x64xf32, #tpu.memory_space<vmem>> -> memref<1x320x64xf32, #tpu.memory_space<vmem>>
      %dma_start3A_359 = tpu.memref_squeeze %dma_start3A_358 : memref<1x320x64xf32, #tpu.memory_space<vmem>> -> memref<320x64xf32, #tpu.memory_space<vmem>>
      tpu.enqueue_dma source(%dma_start3A_359 : memref<320x64xf32, #tpu.memory_space<vmem>>) target(%dma_start3A_355 : memref<320x64xf32, #tpu.memory_space<hbm>>) target_semaphore(%dma_start3A_353 : memref<!tpu.dma_semaphore, #tpu.memory_space<semaphore_mem>>)
      %add3A_360 = arith.constant 3 : i32
      %add3A_361 = arith.addi %mul3A_114, %add3A_360 : i32
      %dma_wait3A_362 = arith.constant 0 : i32
      %dma_wait3A_363 = arith.constant 0 : i32
      %dma_wait3A_364 = arith.constant 0 : i32
      %dma_wait3A_365 = arith.constant 0 : i32
      %dma_wait3A_366 = tpu.memref_slice %arg7[%dma_wait3A_362, %dma_wait3A_364, %dma_wait3A_365] : memref<4x320x64xf32, #tpu.memory_space<vmem>> -> memref<1x320x64xf32, #tpu.memory_space<vmem>>
      %dma_wait3A_367 = tpu.memref_squeeze %dma_wait3A_366 : memref<1x320x64xf32, #tpu.memory_space<vmem>> -> memref<320x64xf32, #tpu.memory_space<vmem>>
      %dma_wait3A_368 = arith.constant 0 : i32
      %dma_wait3A_369 = arith.constant 0 : i32
      %dma_wait3A_370 = tpu.memref_slice %arg2[%dma_wait3A_368, %dma_wait3A_369] : memref<10000x64xf32, #tpu.memory_space<hbm>> -> memref<320x64xf32, #tpu.memory_space<hbm>>
      %dma_wait3A_371 = tpu.memref_slice %arg10[%dma_wait3A_363] : memref<4x!tpu.dma_semaphore, #tpu.memory_space<semaphore_mem>> -> memref<1x!tpu.dma_semaphore, #tpu.memory_space<semaphore_mem>>
      %dma_wait3A_372 = tpu.memref_squeeze %dma_wait3A_371 : memref<1x!tpu.dma_semaphore, #tpu.memory_space<semaphore_mem>> -> memref<!tpu.dma_semaphore, #tpu.memory_space<semaphore_mem>>
      %dma_wait3A_373 = arith.constant 0 : i32
      %dma_wait3A_374 = arith.constant 0 : i32
      %dma_wait3A_375 = tpu.memref_slice %arg7[%dma_wait3A_362, %dma_wait3A_373, %dma_wait3A_374] : memref<4x320x64xf32, #tpu.memory_space<vmem>> -> memref<1x320x64xf32, #tpu.memory_space<vmem>>
      %dma_wait3A_376 = tpu.memref_squeeze %dma_wait3A_375 : memref<1x320x64xf32, #tpu.memory_space<vmem>> -> memref<320x64xf32, #tpu.memory_space<vmem>>
      %dma_wait3A_377 = arith.constant 0 : i32
      %dma_wait3A_378 = arith.constant 0 : i32
      %dma_wait3A_379 = tpu.memref_slice %arg2[%dma_wait3A_377, %dma_wait3A_378] : memref<10000x64xf32, #tpu.memory_space<hbm>> -> memref<320x64xf32, #tpu.memory_space<hbm>>
      tpu.wait_dma2 semaphore(%dma_wait3A_372 : memref<!tpu.dma_semaphore, #tpu.memory_space<semaphore_mem>>) src(%dma_wait3A_379 : memref<320x64xf32, #tpu.memory_space<hbm>>) dst(%dma_wait3A_376 : memref<320x64xf32, #tpu.memory_space<vmem>>)
      %lt3A = arith.constant 79 : i32
      %lt3A_380 = arith.cmpi slt, %scan3A_112, %lt3A : i32
      %convert_element_type3A_381 = arith.extui %lt3A_380 : i1 to i32
      %cond3A_382 = arith.constant 0 : i32
      %cond3A_383 = arith.cmpi ne, %convert_element_type3A_381, %cond3A_382 : i32
      scf.if %cond3A_383 {
        %add3A_453 = arith.constant 1 : i32
        %add3A_454 = arith.addi %add3A_361, %add3A_453 : i32
        %mul3A_455 = arith.constant 320 : i32
        %mul3A_456 = arith.muli %add3A_454, %mul3A_455 : i32
        %add3A_457 = arith.addi %mul3A_2, %mul3A_456 : i32
        %multiple_of3A_458 = tpu.assume_multiple %add3A_457, 320 : i32
        %dma_start3A_459 = arith.constant 0 : i32
        %dma_start3A_460 = arith.constant 0 : i32
        %dma_start3A_461 = arith.constant 0 : i32
        %dma_start3A_462 = tpu.memref_slice %arg6[%dma_start3A_459, %dma_start3A_461] : memref<4x320xi32, #tpu.memory_space<vmem>> -> memref<1x320xi32, #tpu.memory_space<vmem>>
        %dma_start3A_463 = tpu.memref_squeeze %dma_start3A_462 : memref<1x320xi32, #tpu.memory_space<vmem>> -> memref<320xi32, #tpu.memory_space<vmem>>
        %dma_start3A_464 = tpu.memref_slice %arg3[%multiple_of3A_458] : memref<3276800xi32, #tpu.memory_space<hbm>> -> memref<320xi32, #tpu.memory_space<hbm>>
        %dma_start3A_465 = tpu.memref_slice %arg8[%dma_start3A_460] : memref<4x!tpu.dma_semaphore, #tpu.memory_space<semaphore_mem>> -> memref<1x!tpu.dma_semaphore, #tpu.memory_space<semaphore_mem>>
        %dma_start3A_466 = tpu.memref_squeeze %dma_start3A_465 : memref<1x!tpu.dma_semaphore, #tpu.memory_space<semaphore_mem>> -> memref<!tpu.dma_semaphore, #tpu.memory_space<semaphore_mem>>
        %dma_start3A_467 = arith.constant 0 : i32
        %dma_start3A_468 = tpu.memref_slice %arg6[%dma_start3A_459, %dma_start3A_467] : memref<4x320xi32, #tpu.memory_space<vmem>> -> memref<1x320xi32, #tpu.memory_space<vmem>>
        %dma_start3A_469 = tpu.memref_squeeze %dma_start3A_468 : memref<1x320xi32, #tpu.memory_space<vmem>> -> memref<320xi32, #tpu.memory_space<vmem>>
        %dma_start3A_470 = tpu.memref_slice %arg3[%multiple_of3A_458] : memref<3276800xi32, #tpu.memory_space<hbm>> -> memref<320xi32, #tpu.memory_space<hbm>>
        tpu.enqueue_dma source(%dma_start3A_470 : memref<320xi32, #tpu.memory_space<hbm>>) target(%dma_start3A_469 : memref<320xi32, #tpu.memory_space<vmem>>) target_semaphore(%dma_start3A_466 : memref<!tpu.dma_semaphore, #tpu.memory_space<semaphore_mem>>)
      } else {
      }
      %dma_wait3A_384 = arith.constant 3 : i32
      %dma_wait3A_385 = arith.constant 3 : i32
      %dma_wait3A_386 = arith.constant 0 : i32
      %dma_wait3A_387 = tpu.memref_slice %arg6[%dma_wait3A_384, %dma_wait3A_386] : memref<4x320xi32, #tpu.memory_space<vmem>> -> memref<1x320xi32, #tpu.memory_space<vmem>>
      %dma_wait3A_388 = tpu.memref_squeeze %dma_wait3A_387 : memref<1x320xi32, #tpu.memory_space<vmem>> -> memref<320xi32, #tpu.memory_space<vmem>>
      %dma_wait3A_389 = arith.constant 0 : i32
      %dma_wait3A_390 = tpu.memref_slice %arg3[%dma_wait3A_389] : memref<3276800xi32, #tpu.memory_space<hbm>> -> memref<320xi32, #tpu.memory_space<hbm>>
      %dma_wait3A_391 = tpu.memref_slice %arg8[%dma_wait3A_385] : memref<4x!tpu.dma_semaphore, #tpu.memory_space<semaphore_mem>> -> memref<1x!tpu.dma_semaphore, #tpu.memory_space<semaphore_mem>>
      %dma_wait3A_392 = tpu.memref_squeeze %dma_wait3A_391 : memref<1x!tpu.dma_semaphore, #tpu.memory_space<semaphore_mem>> -> memref<!tpu.dma_semaphore, #tpu.memory_space<semaphore_mem>>
      %dma_wait3A_393 = arith.constant 0 : i32
      %dma_wait3A_394 = tpu.memref_slice %arg6[%dma_wait3A_384, %dma_wait3A_393] : memref<4x320xi32, #tpu.memory_space<vmem>> -> memref<1x320xi32, #tpu.memory_space<vmem>>
      %dma_wait3A_395 = tpu.memref_squeeze %dma_wait3A_394 : memref<1x320xi32, #tpu.memory_space<vmem>> -> memref<320xi32, #tpu.memory_space<vmem>>
      %dma_wait3A_396 = arith.constant 0 : i32
      %dma_wait3A_397 = tpu.memref_slice %arg3[%dma_wait3A_396] : memref<3276800xi32, #tpu.memory_space<hbm>> -> memref<320xi32, #tpu.memory_space<hbm>>
      tpu.wait_dma2 semaphore(%dma_wait3A_392 : memref<!tpu.dma_semaphore, #tpu.memory_space<semaphore_mem>>) src(%dma_wait3A_397 : memref<320xi32, #tpu.memory_space<hbm>>) dst(%dma_wait3A_395 : memref<320xi32, #tpu.memory_space<vmem>>)
      %dma_start3A_398 = arith.constant 3 : i32
      %dma_start3A_399 = arith.constant 3 : i32
      %dma_start3A_400 = arith.constant 3 : i32
      %dma_start3A_401 = arith.constant 0 : i32
      %dma_start3A_402 = arith.constant 0 : i32
      %dma_start3A_403 = tpu.memref_slice %arg7[%dma_start3A_399, %dma_start3A_401, %dma_start3A_402] : memref<4x320x64xf32, #tpu.memory_space<vmem>> -> memref<1x320x64xf32, #tpu.memory_space<vmem>>
      %dma_start3A_404 = tpu.memref_squeeze %dma_start3A_403 : memref<1x320x64xf32, #tpu.memory_space<vmem>> -> memref<320x64xf32, #tpu.memory_space<vmem>>
      %dma_start3A_405 = arith.constant 0 : i32
      %dma_start3A_406 = tpu.memref_slice %arg6[%dma_start3A_398, %dma_start3A_405] : memref<4x320xi32, #tpu.memory_space<vmem>> -> memref<1x320xi32, #tpu.memory_space<vmem>>
      %dma_start3A_407 = tpu.memref_squeeze %dma_start3A_406 : memref<1x320xi32, #tpu.memory_space<vmem>> -> memref<320xi32, #tpu.memory_space<vmem>>
      %dma_start3A_408 = arith.constant 0 : i32
      %dma_start3A_409 = arith.constant 0 : i32
      %dma_start3A_410 = tpu.memref_slice %arg5[%dma_start3A_408, %dma_start3A_409] : memref<10000x64xf32, #tpu.memory_space<vmem_shared>> -> memref<10000x64xf32, #tpu.memory_space<vmem_shared>>
      %dma_start3A_411 = tpu.memref_slice %arg9[%dma_start3A_400] : memref<4x!tpu.dma_semaphore, #tpu.memory_space<semaphore_mem>> -> memref<1x!tpu.dma_semaphore, #tpu.memory_space<semaphore_mem>>
      %dma_start3A_412 = tpu.memref_squeeze %dma_start3A_411 : memref<1x!tpu.dma_semaphore, #tpu.memory_space<semaphore_mem>> -> memref<!tpu.dma_semaphore, #tpu.memory_space<semaphore_mem>>
      tpu.enqueue_indirect_dma source(%dma_start3A_410 : memref<10000x64xf32, #tpu.memory_space<vmem_shared>>) target(%dma_start3A_404 : memref<320x64xf32, #tpu.memory_space<vmem>>) offsets(%dma_start3A_407 : memref<320xi32, #tpu.memory_space<vmem>>) semaphore(%dma_start3A_412 : memref<!tpu.dma_semaphore, #tpu.memory_space<semaphore_mem>>)
      %dma_wait3A_413 = arith.constant 2 : i32
      %dma_wait3A_414 = arith.constant 2 : i32
      %dma_wait3A_415 = arith.constant 0 : i32
      %dma_wait3A_416 = arith.constant 0 : i32
      %dma_wait3A_417 = tpu.memref_slice %arg7[%dma_wait3A_413, %dma_wait3A_415, %dma_wait3A_416] : memref<4x320x64xf32, #tpu.memory_space<vmem>> -> memref<1x320x64xf32, #tpu.memory_space<vmem>>
      %dma_wait3A_418 = tpu.memref_squeeze %dma_wait3A_417 : memref<1x320x64xf32, #tpu.memory_space<vmem>> -> memref<320x64xf32, #tpu.memory_space<vmem>>
      %dma_wait3A_419 = arith.constant 0 : i32
      %dma_wait3A_420 = arith.constant 0 : i32
      %dma_wait3A_421 = tpu.memref_slice %arg2[%dma_wait3A_419, %dma_wait3A_420] : memref<10000x64xf32, #tpu.memory_space<hbm>> -> memref<320x64xf32, #tpu.memory_space<hbm>>
      %dma_wait3A_422 = tpu.memref_slice %arg9[%dma_wait3A_414] : memref<4x!tpu.dma_semaphore, #tpu.memory_space<semaphore_mem>> -> memref<1x!tpu.dma_semaphore, #tpu.memory_space<semaphore_mem>>
      %dma_wait3A_423 = tpu.memref_squeeze %dma_wait3A_422 : memref<1x!tpu.dma_semaphore, #tpu.memory_space<semaphore_mem>> -> memref<!tpu.dma_semaphore, #tpu.memory_space<semaphore_mem>>
      %dma_wait3A_424 = arith.constant 0 : i32
      %dma_wait3A_425 = arith.constant 0 : i32
      %dma_wait3A_426 = tpu.memref_slice %arg7[%dma_wait3A_413, %dma_wait3A_424, %dma_wait3A_425] : memref<4x320x64xf32, #tpu.memory_space<vmem>> -> memref<1x320x64xf32, #tpu.memory_space<vmem>>
      %dma_wait3A_427 = tpu.memref_squeeze %dma_wait3A_426 : memref<1x320x64xf32, #tpu.memory_space<vmem>> -> memref<320x64xf32, #tpu.memory_space<vmem>>
      %dma_wait3A_428 = arith.constant 0 : i32
      %dma_wait3A_429 = arith.constant 0 : i32
      %dma_wait3A_430 = tpu.memref_slice %arg2[%dma_wait3A_428, %dma_wait3A_429] : memref<10000x64xf32, #tpu.memory_space<hbm>> -> memref<320x64xf32, #tpu.memory_space<hbm>>
      tpu.wait_dma2 semaphore(%dma_wait3A_423 : memref<!tpu.dma_semaphore, #tpu.memory_space<semaphore_mem>>) src(%dma_wait3A_430 : memref<320x64xf32, #tpu.memory_space<hbm>>) dst(%dma_wait3A_427 : memref<320x64xf32, #tpu.memory_space<vmem>>)
      %sub3A_431 = arith.constant 1 : i32
      %sub3A_432 = arith.subi %add3A_361, %sub3A_431 : i32
      %mul3A_433 = arith.constant 320 : i32
      %mul3A_434 = arith.muli %sub3A_432, %mul3A_433 : i32
      %add3A_435 = arith.addi %mul3A_2, %mul3A_434 : i32
      %multiple_of3A_436 = tpu.assume_multiple %add3A_435, 320 : i32
      %dma_start3A_437 = arith.constant 2 : i32
      %dma_start3A_438 = arith.constant 2 : i32
      %dma_start3A_439 = arith.constant 0 : i32
      %dma_start3A_440 = arith.constant 0 : i32
      %dma_start3A_441 = tpu.memref_slice %arg7[%dma_start3A_437, %dma_start3A_439, %dma_start3A_440] : memref<4x320x64xf32, #tpu.memory_space<vmem>> -> memref<1x320x64xf32, #tpu.memory_space<vmem>>
      %dma_start3A_442 = tpu.memref_squeeze %dma_start3A_441 : memref<1x320x64xf32, #tpu.memory_space<vmem>> -> memref<320x64xf32, #tpu.memory_space<vmem>>
      %dma_start3A_443 = arith.constant 0 : i32
      %dma_start3A_444 = tpu.memref_slice %arg4[%multiple_of3A_436, %dma_start3A_443] : memref<3276800x64xf32, #tpu.memory_space<hbm>> -> memref<320x64xf32, #tpu.memory_space<hbm>>
      %dma_start3A_445 = tpu.memref_slice %arg10[%dma_start3A_438] : memref<4x!tpu.dma_semaphore, #tpu.memory_space<semaphore_mem>> -> memref<1x!tpu.dma_semaphore, #tpu.memory_space<semaphore_mem>>
      %dma_start3A_446 = tpu.memref_squeeze %dma_start3A_445 : memref<1x!tpu.dma_semaphore, #tpu.memory_space<semaphore_mem>> -> memref<!tpu.dma_semaphore, #tpu.memory_space<semaphore_mem>>
      %dma_start3A_447 = arith.constant 0 : i32
      %dma_start3A_448 = tpu.memref_slice %arg4[%multiple_of3A_436, %dma_start3A_447] : memref<3276800x64xf32, #tpu.memory_space<hbm>> -> memref<320x64xf32, #tpu.memory_space<hbm>>
      %dma_start3A_449 = arith.constant 0 : i32
      %dma_start3A_450 = arith.constant 0 : i32
      %dma_start3A_451 = tpu.memref_slice %arg7[%dma_start3A_437, %dma_start3A_449, %dma_start3A_450] : memref<4x320x64xf32, #tpu.memory_space<vmem>> -> memref<1x320x64xf32, #tpu.memory_space<vmem>>
      %dma_start3A_452 = tpu.memref_squeeze %dma_start3A_451 : memref<1x320x64xf32, #tpu.memory_space<vmem>> -> memref<320x64xf32, #tpu.memory_space<vmem>>
      tpu.enqueue_dma source(%dma_start3A_452 : memref<320x64xf32, #tpu.memory_space<vmem>>) target(%dma_start3A_448 : memref<320x64xf32, #tpu.memory_space<hbm>>) target_semaphore(%dma_start3A_446 : memref<!tpu.dma_semaphore, #tpu.memory_space<semaphore_mem>>)
    }
    %scan3A_21 = arith.constant 80 : i32
    %dma_wait3A = arith.constant 3 : i32
    %dma_wait3A_22 = arith.constant 3 : i32
    %dma_wait3A_23 = arith.constant 0 : i32
    %dma_wait3A_24 = arith.constant 0 : i32
    %dma_wait3A_25 = tpu.memref_slice %arg7[%dma_wait3A, %dma_wait3A_23, %dma_wait3A_24] : memref<4x320x64xf32, #tpu.memory_space<vmem>> -> memref<1x320x64xf32, #tpu.memory_space<vmem>>
    %dma_wait3A_26 = tpu.memref_squeeze %dma_wait3A_25 : memref<1x320x64xf32, #tpu.memory_space<vmem>> -> memref<320x64xf32, #tpu.memory_space<vmem>>
    %dma_wait3A_27 = arith.constant 0 : i32
    %dma_wait3A_28 = arith.constant 0 : i32
    %dma_wait3A_29 = tpu.memref_slice %arg2[%dma_wait3A_27, %dma_wait3A_28] : memref<10000x64xf32, #tpu.memory_space<hbm>> -> memref<320x64xf32, #tpu.memory_space<hbm>>
    %dma_wait3A_30 = tpu.memref_slice %arg9[%dma_wait3A_22] : memref<4x!tpu.dma_semaphore, #tpu.memory_space<semaphore_mem>> -> memref<1x!tpu.dma_semaphore, #tpu.memory_space<semaphore_mem>>
    %dma_wait3A_31 = tpu.memref_squeeze %dma_wait3A_30 : memref<1x!tpu.dma_semaphore, #tpu.memory_space<semaphore_mem>> -> memref<!tpu.dma_semaphore, #tpu.memory_space<semaphore_mem>>
    %dma_wait3A_32 = arith.constant 0 : i32
    %dma_wait3A_33 = arith.constant 0 : i32
    %dma_wait3A_34 = tpu.memref_slice %arg7[%dma_wait3A, %dma_wait3A_32, %dma_wait3A_33] : memref<4x320x64xf32, #tpu.memory_space<vmem>> -> memref<1x320x64xf32, #tpu.memory_space<vmem>>
    %dma_wait3A_35 = tpu.memref_squeeze %dma_wait3A_34 : memref<1x320x64xf32, #tpu.memory_space<vmem>> -> memref<320x64xf32, #tpu.memory_space<vmem>>
    %dma_wait3A_36 = arith.constant 0 : i32
    %dma_wait3A_37 = arith.constant 0 : i32
    %dma_wait3A_38 = tpu.memref_slice %arg2[%dma_wait3A_36, %dma_wait3A_37] : memref<10000x64xf32, #tpu.memory_space<hbm>> -> memref<320x64xf32, #tpu.memory_space<hbm>>
    tpu.wait_dma2 semaphore(%dma_wait3A_31 : memref<!tpu.dma_semaphore, #tpu.memory_space<semaphore_mem>>) src(%dma_wait3A_38 : memref<320x64xf32, #tpu.memory_space<hbm>>) dst(%dma_wait3A_35 : memref<320x64xf32, #tpu.memory_space<vmem>>)
    %add3A_39 = arith.constant 102080 : i32
    %add3A_40 = arith.addi %mul3A_2, %add3A_39 : i32
    %multiple_of3A_41 = tpu.assume_multiple %add3A_40, 320 : i32
    %dma_start3A_42 = arith.constant 3 : i32
    %dma_start3A_43 = arith.constant 3 : i32
    %dma_start3A_44 = arith.constant 0 : i32
    %dma_start3A_45 = arith.constant 0 : i32
    %dma_start3A_46 = tpu.memref_slice %arg7[%dma_start3A_42, %dma_start3A_44, %dma_start3A_45] : memref<4x320x64xf32, #tpu.memory_space<vmem>> -> memref<1x320x64xf32, #tpu.memory_space<vmem>>
    %dma_start3A_47 = tpu.memref_squeeze %dma_start3A_46 : memref<1x320x64xf32, #tpu.memory_space<vmem>> -> memref<320x64xf32, #tpu.memory_space<vmem>>
    %dma_start3A_48 = arith.constant 0 : i32
    %dma_start3A_49 = tpu.memref_slice %arg4[%multiple_of3A_41, %dma_start3A_48] : memref<3276800x64xf32, #tpu.memory_space<hbm>> -> memref<320x64xf32, #tpu.memory_space<hbm>>
    %dma_start3A_50 = tpu.memref_slice %arg10[%dma_start3A_43] : memref<4x!tpu.dma_semaphore, #tpu.memory_space<semaphore_mem>> -> memref<1x!tpu.dma_semaphore, #tpu.memory_space<semaphore_mem>>
    %dma_start3A_51 = tpu.memref_squeeze %dma_start3A_50 : memref<1x!tpu.dma_semaphore, #tpu.memory_space<semaphore_mem>> -> memref<!tpu.dma_semaphore, #tpu.memory_space<semaphore_mem>>
    %dma_start3A_52 = arith.constant 0 : i32
    %dma_start3A_53 = tpu.memref_slice %arg4[%multiple_of3A_41, %dma_start3A_52] : memref<3276800x64xf32, #tpu.memory_space<hbm>> -> memref<320x64xf32, #tpu.memory_space<hbm>>
    %dma_start3A_54 = arith.constant 0 : i32
    %dma_start3A_55 = arith.constant 0 : i32
    %dma_start3A_56 = tpu.memref_slice %arg7[%dma_start3A_42, %dma_start3A_54, %dma_start3A_55] : memref<4x320x64xf32, #tpu.memory_space<vmem>> -> memref<1x320x64xf32, #tpu.memory_space<vmem>>
    %dma_start3A_57 = tpu.memref_squeeze %dma_start3A_56 : memref<1x320x64xf32, #tpu.memory_space<vmem>> -> memref<320x64xf32, #tpu.memory_space<vmem>>
    tpu.enqueue_dma source(%dma_start3A_57 : memref<320x64xf32, #tpu.memory_space<vmem>>) target(%dma_start3A_53 : memref<320x64xf32, #tpu.memory_space<hbm>>) target_semaphore(%dma_start3A_51 : memref<!tpu.dma_semaphore, #tpu.memory_space<semaphore_mem>>)
    %dma_wait3A_58 = arith.constant 1 : i32
    %dma_wait3A_59 = arith.constant 1 : i32
    %dma_wait3A_60 = arith.constant 0 : i32
    %dma_wait3A_61 = arith.constant 0 : i32
    %dma_wait3A_62 = tpu.memref_slice %arg7[%dma_wait3A_58, %dma_wait3A_60, %dma_wait3A_61] : memref<4x320x64xf32, #tpu.memory_space<vmem>> -> memref<1x320x64xf32, #tpu.memory_space<vmem>>
    %dma_wait3A_63 = tpu.memref_squeeze %dma_wait3A_62 : memref<1x320x64xf32, #tpu.memory_space<vmem>> -> memref<320x64xf32, #tpu.memory_space<vmem>>
    %dma_wait3A_64 = arith.constant 0 : i32
    %dma_wait3A_65 = arith.constant 0 : i32
    %dma_wait3A_66 = tpu.memref_slice %arg2[%dma_wait3A_64, %dma_wait3A_65] : memref<10000x64xf32, #tpu.memory_space<hbm>> -> memref<320x64xf32, #tpu.memory_space<hbm>>
    %dma_wait3A_67 = tpu.memref_slice %arg10[%dma_wait3A_59] : memref<4x!tpu.dma_semaphore, #tpu.memory_space<semaphore_mem>> -> memref<1x!tpu.dma_semaphore, #tpu.memory_space<semaphore_mem>>
    %dma_wait3A_68 = tpu.memref_squeeze %dma_wait3A_67 : memref<1x!tpu.dma_semaphore, #tpu.memory_space<semaphore_mem>> -> memref<!tpu.dma_semaphore, #tpu.memory_space<semaphore_mem>>
    %dma_wait3A_69 = arith.constant 0 : i32
    %dma_wait3A_70 = arith.constant 0 : i32
    %dma_wait3A_71 = tpu.memref_slice %arg7[%dma_wait3A_58, %dma_wait3A_69, %dma_wait3A_70] : memref<4x320x64xf32, #tpu.memory_space<vmem>> -> memref<1x320x64xf32, #tpu.memory_space<vmem>>
    %dma_wait3A_72 = tpu.memref_squeeze %dma_wait3A_71 : memref<1x320x64xf32, #tpu.memory_space<vmem>> -> memref<320x64xf32, #tpu.memory_space<vmem>>
    %dma_wait3A_73 = arith.constant 0 : i32
    %dma_wait3A_74 = arith.constant 0 : i32
    %dma_wait3A_75 = tpu.memref_slice %arg2[%dma_wait3A_73, %dma_wait3A_74] : memref<10000x64xf32, #tpu.memory_space<hbm>> -> memref<320x64xf32, #tpu.memory_space<hbm>>
    tpu.wait_dma2 semaphore(%dma_wait3A_68 : memref<!tpu.dma_semaphore, #tpu.memory_space<semaphore_mem>>) src(%dma_wait3A_75 : memref<320x64xf32, #tpu.memory_space<hbm>>) dst(%dma_wait3A_72 : memref<320x64xf32, #tpu.memory_space<vmem>>)
    %dma_wait3A_76 = arith.constant 2 : i32
    %dma_wait3A_77 = arith.constant 2 : i32
    %dma_wait3A_78 = arith.constant 0 : i32
    %dma_wait3A_79 = arith.constant 0 : i32
    %dma_wait3A_80 = tpu.memref_slice %arg7[%dma_wait3A_76, %dma_wait3A_78, %dma_wait3A_79] : memref<4x320x64xf32, #tpu.memory_space<vmem>> -> memref<1x320x64xf32, #tpu.memory_space<vmem>>
    %dma_wait3A_81 = tpu.memref_squeeze %dma_wait3A_80 : memref<1x320x64xf32, #tpu.memory_space<vmem>> -> memref<320x64xf32, #tpu.memory_space<vmem>>
    %dma_wait3A_82 = arith.constant 0 : i32
    %dma_wait3A_83 = arith.constant 0 : i32
    %dma_wait3A_84 = tpu.memref_slice %arg2[%dma_wait3A_82, %dma_wait3A_83] : memref<10000x64xf32, #tpu.memory_space<hbm>> -> memref<320x64xf32, #tpu.memory_space<hbm>>
    %dma_wait3A_85 = tpu.memref_slice %arg10[%dma_wait3A_77] : memref<4x!tpu.dma_semaphore, #tpu.memory_space<semaphore_mem>> -> memref<1x!tpu.dma_semaphore, #tpu.memory_space<semaphore_mem>>
    %dma_wait3A_86 = tpu.memref_squeeze %dma_wait3A_85 : memref<1x!tpu.dma_semaphore, #tpu.memory_space<semaphore_mem>> -> memref<!tpu.dma_semaphore, #tpu.memory_space<semaphore_mem>>
    %dma_wait3A_87 = arith.constant 0 : i32
    %dma_wait3A_88 = arith.constant 0 : i32
    %dma_wait3A_89 = tpu.memref_slice %arg7[%dma_wait3A_76, %dma_wait3A_87, %dma_wait3A_88] : memref<4x320x64xf32, #tpu.memory_space<vmem>> -> memref<1x320x64xf32, #tpu.memory_space<vmem>>
    %dma_wait3A_90 = tpu.memref_squeeze %dma_wait3A_89 : memref<1x320x64xf32, #tpu.memory_space<vmem>> -> memref<320x64xf32, #tpu.memory_space<vmem>>
    %dma_wait3A_91 = arith.constant 0 : i32
    %dma_wait3A_92 = arith.constant 0 : i32
    %dma_wait3A_93 = tpu.memref_slice %arg2[%dma_wait3A_91, %dma_wait3A_92] : memref<10000x64xf32, #tpu.memory_space<hbm>> -> memref<320x64xf32, #tpu.memory_space<hbm>>
    tpu.wait_dma2 semaphore(%dma_wait3A_86 : memref<!tpu.dma_semaphore, #tpu.memory_space<semaphore_mem>>) src(%dma_wait3A_93 : memref<320x64xf32, #tpu.memory_space<hbm>>) dst(%dma_wait3A_90 : memref<320x64xf32, #tpu.memory_space<vmem>>)
    %dma_wait3A_94 = arith.constant 3 : i32
    %dma_wait3A_95 = arith.constant 3 : i32
    %dma_wait3A_96 = arith.constant 0 : i32
    %dma_wait3A_97 = arith.constant 0 : i32
    %dma_wait3A_98 = tpu.memref_slice %arg7[%dma_wait3A_94, %dma_wait3A_96, %dma_wait3A_97] : memref<4x320x64xf32, #tpu.memory_space<vmem>> -> memref<1x320x64xf32, #tpu.memory_space<vmem>>
    %dma_wait3A_99 = tpu.memref_squeeze %dma_wait3A_98 : memref<1x320x64xf32, #tpu.memory_space<vmem>> -> memref<320x64xf32, #tpu.memory_space<vmem>>
    %dma_wait3A_100 = arith.constant 0 : i32
    %dma_wait3A_101 = arith.constant 0 : i32
    %dma_wait3A_102 = tpu.memref_slice %arg2[%dma_wait3A_100, %dma_wait3A_101] : memref<10000x64xf32, #tpu.memory_space<hbm>> -> memref<320x64xf32, #tpu.memory_space<hbm>>
    %dma_wait3A_103 = tpu.memref_slice %arg10[%dma_wait3A_95] : memref<4x!tpu.dma_semaphore, #tpu.memory_space<semaphore_mem>> -> memref<1x!tpu.dma_semaphore, #tpu.memory_space<semaphore_mem>>
    %dma_wait3A_104 = tpu.memref_squeeze %dma_wait3A_103 : memref<1x!tpu.dma_semaphore, #tpu.memory_space<semaphore_mem>> -> memref<!tpu.dma_semaphore, #tpu.memory_space<semaphore_mem>>
    %dma_wait3A_105 = arith.constant 0 : i32
    %dma_wait3A_106 = arith.constant 0 : i32
    %dma_wait3A_107 = tpu.memref_slice %arg7[%dma_wait3A_94, %dma_wait3A_105, %dma_wait3A_106] : memref<4x320x64xf32, #tpu.memory_space<vmem>> -> memref<1x320x64xf32, #tpu.memory_space<vmem>>
    %dma_wait3A_108 = tpu.memref_squeeze %dma_wait3A_107 : memref<1x320x64xf32, #tpu.memory_space<vmem>> -> memref<320x64xf32, #tpu.memory_space<vmem>>
    %dma_wait3A_109 = arith.constant 0 : i32
    %dma_wait3A_110 = arith.constant 0 : i32
    %dma_wait3A_111 = tpu.memref_slice %arg2[%dma_wait3A_109, %dma_wait3A_110] : memref<10000x64xf32, #tpu.memory_space<hbm>> -> memref<320x64xf32, #tpu.memory_space<hbm>>
    tpu.wait_dma2 semaphore(%dma_wait3A_104 : memref<!tpu.dma_semaphore, #tpu.memory_space<semaphore_mem>>) src(%dma_wait3A_111 : memref<320x64xf32, #tpu.memory_space<hbm>>) dst(%dma_wait3A_108 : memref<320x64xf32, #tpu.memory_space<vmem>>)
    return
  }
}

</mosaic_0001>

<sc_bundles>
// kernel: _temporal_embedding.3.cloned.1.call-start
scs
__scs_entry_jumppad:
0x0: {  	(pc) =	sbr.rel $0x88, $3  }
0x1: {  	(tag) =	ssettag $0x0;
	lr =	simm.s32 $0x1  }
0x2: {  	[smem:$0x3F9F] =	sst lr;
	_ =	strace $0xD0000000  }
0x3: {  	_ = 	snop  }
0x4: {  	_ = 	snop  }
0x5: {  	_ = 	snop  }
0x6: {  	_ = 	snop  }
0x7: {  	_ = 	snop  }
__scs_overlays_trampoline_lowered:
0x8: {  	[smem:$0x3FAE] =	sst s0  }
0x9: {  	[smem:$0x3FAF] =	sst s1  }
0xa: {  	[smem:$0x3FB0] =	sst s2  }
0xb: {  	[smem:$0x3FB1] =	sst s3  }
0xc: {  	[smem:$0x3FB2] =	sst s4  }
0xd: {  	[smem:$0x3FB3] =	sst s5  }
0xe: {  	[smem:$0x3FB4] =	sst s6  }
0xf: {  	[smem:$0x3FB5] =	sst s7  }
0x10: {  	[smem:$0x3FB6] =	sst s8  }
0x11: {  	[smem:$0x3FB7] =	sst s9;
	s0 =	simm.s32 @!p0 $0x0  }
0x12: {  	s1 =	sld [smem:$0x3F9D];
	s0 =	simm.s32 @p0 $0x1  }
0x13: {  	[smem:$0x3FB8] =	sst s0;
	s0 =	simm.s32 @!p1 $0x0  }
0x14: {  	s2 =	sld [smem:$0x3F9C];
	s0 =	simm.s32 @p1 $0x1  }
0x15: {  	[smem:$0x3FB9] =	sst s0;
	s0 =	simm.s32 @!p2 $0x0  }
0x16: {  	s3 =	sld [smem:$0x3FDB];
	s0 =	simm.s32 @p2 $0x1  }
0x17: {  	s4 =	simm.s32 $0x1BF5;
	[smem:$0x3FBB] =	sst s0  }
0x18: {  	s0 =	sld [smem:$0x3F9E];
	_ =	swait.ge [sflag:s4], $0x0  }
0x19: {  	s7 =	sld [smem:$0x3F9F]  }
0x1a: {  	s8 =	sadd.s32 $0xFFFFE003, lr  }
0x1b: {  	s9 =	sadd.s32 $0xFFFFFEF7, lr;
	s5 =	simm.s32 $0xFFFFFFFF;
	p2 =	slt.u32 s8, $0xFFFFF086  }
0x1c: {  	p1 =	slt.u32 s9, $0xF7A;
	s5 =	simm.s32 @!p2 $0x0  }
0x1d: {  	s5 =	simm.s32 @p1 $0x1;
	p0 =	seq.s32 s7, s2  }
0x1e: {  	s7 =	smul.u32 @!p0 $0xF7A, s2;
	p2 =	seq.s32 @!p0 s5, $0x0  }
0x1f: {  	s9 =	smul.u32 $0xF7A, s1;
	s8 =	simm.s32 @!p0 $0x1BF5;
	p2 =	por !p2, p0  }
0x20: {  	[sflag:s8] =	ssyncset.s32 @!p0 $0xFFFFF086;
	s6 =	sadd.s32 @!p0 s3, s7;
	s7 =	simm.s32 @!p0 $0x108  }
0x21: {  	s3 =	sadd.s32 s3, s9;
	s6 =	sadd.s32 @!p0 $0x88, s6;
	s7 =	simm.s32 @p2 $0x1082  }
0x22: {  	[simem:s7], [sflag:s8] =	dma.local @!p0 [hbm:s6], $0xF7A  }
0x23: {  	s9 =	sor.u32 $0xD0000000, s2;
	s6 =	simm.s32 $0x108;
	_ =	swait.ge @!p0 [sflag:s8], $0x0  }
0x24: {  	s3 =	sadd.s32 $0x88, s3;
	s6 =	simm.s32 @!p1 $0x1082;
	[sflag:s4] =	ssyncset.s32 $0xFFFFF086  }
0x25: {  	[simem:s6], [sflag:s4] =	dma.local [hbm:s3], $0xF7A  }
0x26: {  	[smem:$0x3F9F] =	sst s1;
	(tag) =	ssettag s2;
	_ =	strace s9  }
0x27: {  	s1 =	sld [smem:$0x3FAF]  }
0x28: {  	s2 =	sld [smem:$0x3FB0]  }
0x29: {  	s4 =	sld [smem:$0x3FB2]  }
0x2a: {  	p0 =	seq.s32 s5, $0x0;
	s5 =	sld [smem:$0x3FB3]  }
0x2b: {  	s6 =	sld [smem:$0x3FB4]  }
0x2c: {  	s7 =	sld [smem:$0x3FB5]  }
0x2d: {  	s3 =	simm.s32 $0x108;
	s8 =	sld [smem:$0x3FB6]  }
0x2e: {  	s3 =	simm.s32 @!p0 $0x1082;
	s9 =	sld [smem:$0x3FB7]  }
0x2f: {  	lr =	sadd.s32 s0, s3;
	s0 =	sld [smem:$0x3FAE]  }
0x30: {  	s3 =	sld [smem:$0x3FB1]  }
0x31: {  	[smem:$0x3FBA] =	sst s10  }
0x32: {  	s10 =	sld [smem:$0x3FB8];
	_ =	sdelay $0x3  }
0x33: {  	p0 =	seq.s32 s10, $0x1;
	s10 =	sld [smem:$0x3FBA];
	_ =	sdelay $0x3  }
0x34: {  	[smem:$0x3FBA] =	sst s10  }
0x35: {  	s10 =	sld [smem:$0x3FB9];
	_ =	sdelay $0x3  }
0x36: {  	p1 =	seq.s32 s10, $0x1;
	s10 =	sld [smem:$0x3FBA];
	_ =	sdelay $0x3  }
0x37: {  	[smem:$0x3FBA] =	sst s10  }
0x38: {  	s10 =	sld [smem:$0x3FBB]  }
0x39: {  	_ = 	snop;
	(pc) =	sbr.ind lr, $3  }
0x3a: {  	_ = 	snop  }
0x3b: {  	_ = 	snop  }
0x3c: {  	p2 =	seq.s32 s10, $0x1;
	s10 =	sld [smem:$0x3FBA]  }
0x3d: {  	_ =	shalt  }
0x3e: {  	_ =	shalt  }
0x3f: {  	_ =	shalt  }
0x40: {  	_ =	shalt  }
0x41: {  	_ =	shalt  }
0x42: {  	_ =	shalt  }
0x43: {  	_ =	shalt  }
0x44: {  	_ =	shalt  }
0x45: {  	_ =	shalt  }
0x46: {  	_ =	shalt  }
0x47: {  	_ =	shalt  }
0x48: {  	_ =	shalt  }
0x49: {  	_ =	shalt  }
0x4a: {  	_ =	shalt  }
0x4b: {  	_ =	shalt  }
0x4c: {  	_ =	shalt  }
0x4d: {  	_ =	shalt  }
0x4e: {  	_ =	shalt  }
0x4f: {  	_ =	shalt  }
0x50: {  	_ =	shalt  }
0x51: {  	_ =	shalt  }
0x52: {  	_ =	shalt  }
0x53: {  	_ =	shalt  }
0x54: {  	_ =	shalt  }
0x55: {  	_ =	shalt  }
0x56: {  	_ =	shalt  }
0x57: {  	_ =	shalt  }
0x58: {  	_ =	shalt  }
0x59: {  	_ =	shalt  }
0x5a: {  	_ =	shalt  }
0x5b: {  	_ =	shalt  }
0x5c: {  	_ =	shalt  }
0x5d: {  	_ =	shalt  }
0x5e: {  	_ =	shalt  }
0x5f: {  	_ =	shalt  }
0x60: {  	_ =	shalt  }
0x61: {  	_ =	shalt  }
0x62: {  	_ =	shalt  }
0x63: {  	_ =	shalt  }
0x64: {  	_ =	shalt  }
0x65: {  	_ =	shalt  }
0x66: {  	_ =	shalt  }
0x67: {  	_ =	shalt  }
0x68: {  	_ =	shalt  }
0x69: {  	_ =	shalt  }
0x6a: {  	_ =	shalt  }
0x6b: {  	_ =	shalt  }
0x6c: {  	_ =	shalt  }
0x6d: {  	_ =	shalt  }
0x6e: {  	_ =	shalt  }
0x6f: {  	_ =	shalt  }
0x70: {  	_ =	shalt  }
0x71: {  	_ =	shalt  }
0x72: {  	_ =	shalt  }
0x73: {  	_ =	shalt  }
0x74: {  	_ =	shalt  }
0x75: {  	_ =	shalt  }
0x76: {  	_ =	shalt  }
0x77: {  	_ =	shalt  }
0x78: {  	_ =	shalt  }
0x79: {  	_ =	shalt  }
0x7a: {  	_ =	shalt  }
0x7b: {  	_ =	shalt  }
0x7c: {  	_ =	shalt  }
0x7d: {  	_ =	shalt  }
0x7e: {  	_ =	shalt  }
0x7f: {  	_ =	shalt  }
0x80: {  	_ =	shalt  }
0x81: {  	_ =	shalt  }
0x82: {  	_ =	shalt  }
0x83: {  	_ =	shalt  }
0x84: {  	_ =	shalt  }
0x85: {  	_ =	shalt  }
0x86: {  	_ =	shalt  }
0x87: {  	_ =	shalt  }
.Lfunc_end0:
.L_simem_size_0:
called_computation.1_lowered:
.L_overlay_start_0:
0x88: {  	s2 =	sld [smem:$0x3FD9]  }
0x89: {  	s3 =	sld [smem:$0x3FFE];
	_ =	sdelay $0x1  }
0x8a: {  	s1 =	srdreg.scid  }
0x8b: {  	s0 =	sand.u32 $0x1, s1  }
0x8c: {  	s17 =	sshll.u32 s0, $0xA;
	s2 =	sadd.s32 s3, s2  }
0x8d: {  	s2 =	sadd.s32 s2, s17  }
0x8e: {  	[smem:$0x3FC6] =	sst s2  }
0x8f: {  	_ = 	snop  }
0x90: {  	s2 =	sld [smem:$0x3FD0];
	(tm) =	ssettm $0x1  }
0x91: {  	s18 =	sld [smem:$0x3FFB];
	_ =	sdelay $0x3  }
0x92: {  	_ =	strace s18  }
0x93: {  	s3 =	sld [smem:$0x3FFC];
	_ =	sdelay $0x3  }
0x94: {  	_ =	strace s3  }
0x95: {  	s3 =	sld [smem:$0x3FFD];
	_ =	sdelay $0x3  }
0x96: {  	_ =	strace s3  }
0x97: {  	_ =	strace $0x8FFFFFFF  }
0x98: {  	s19 =	sld [smem:$0x3FDB];
	_ =	sdelay $0x1  }
0x99: {  	s4 =	simm.s32 $_scs_section_size  }
0x9a: {  	s5 =	simm.s32 $_size__tile_overlayer_lowered;
	s6 =	simm.s32 $_tile_overlayer_lowered  }
0x9b: {  	s22 =	simm.s32 $0x1BFF;
	s21 =	sshll.u32 s6, $0x1;
	s3 =	sadd.s32 s4, s19  }
0x9c: {  	s7 =	simm.s32 $0x0;
	s20 =	sshll.u32 s5, $0x1;
	s5 =	sadd.s32 s21, s3  }
0x9d: {  	[timem:s7], [sflag:s22] =	dma.local [hbm:s5], s20  }
0x9e: {  	_ =	swait.ge [sflag:s22], s20  }
0x9f: {  	s4 =	ssub.s32 $0x0, s20;
	[sflag:s22] =	ssyncset.done $0x0  }
0xa0: {  	[sflag:s22] =	ssyncadd.s32 s4;
	_ =	sdelay $0x1  }
0xa1: {  	s23 =	simm.s32 $0x1B8B  }
0xa2: {  	_ =	swait.ge [sflag:s23], $0x1  }
0xa3: {  	[sflag:s23] =	ssyncset.done $0x0  }
0xa4: {  	s25 =	simm.s32 $0x1B8E;
	s24 =	sld [smem:$0x3FFE];
	[sflag:s23] =	ssyncadd.s32 $0xFFFFFFFF  }
0xa5: {  	s26 =	simm.s32 $execute0_lowered;
	[smem:$0x3FD2] =	sst s25  }
0xa6: {  	s5 =	sshll.u32 s26, $0x1;
	_ =	strace $0x80000046;
	[dreg:$0x1] =	wrdreg $0xFFFFFFFF  }
0xa7: {  	s28 =	simm.s32 $_size_execute0_lowered;
	s3 =	sadd.s32 s3, s5;
	[dreg:$0x0] =	wrdreg $0x0  }
0xa8: {  	s5 =	sshll.u32 s28, $0x1;
	[dreg:$0x2] =	wrdreg s3  }
0xa9: {  	[dreg:$0x3] =	wrdreg s5  }
0xaa: {  	[dreg:$0x4] =	wrdreg $0xC0  }
0xab: {  	_ =	task [dreg:s7], $0x5FFFF  }
0xac: {  	[dreg:$0x1] =	wrdreg $0xFFFFFFFF  }
0xad: {  	[dreg:$0x0] =	wrdreg $0x60  }
0xae: {  	[dreg:$0x2] =	wrdreg s24  }
0xaf: {  	[dreg:$0x3] =	wrdreg s2  }
0xb0: {  	[dreg:$0x4] =	wrdreg $0x0  }
0xb1: {  	[dreg:$0x5] =	wrdreg $0x9  }
0xb2: {  	_ =	task.clear_ibuf [dreg:s7], $0x6FFFF;
	_ =	strace $0x90000046  }
0xb3: {  	s29 =	simm.s32 $0x9;
	_ =	strace $0x80000048  }
0xb4: {  	_ =	swait.ge [sflag:s29], $0x1  }
0xb5: {  	[sflag:s29] =	ssyncadd.s32 $0xFFFFFFFF  }
0xb6: {  	_ =	strace $0x90000048  }
0xb7: {  	_ =	sfence  }
0xb8: {  	s30 =	sld [smem:$0x0];
	_ =	sdelay $0x2  }
0xb9: {  	s31 =	sshll.u32 s1, $0xD;
	s1 =	sshrl.u32 s1, $0x2  }
0xba: {  	s3 =	sand.u32 $0x4000, s31;
	s1 =	sadd.s32 s1, s30  }
0xbb: {  	s0 =	sor.u32 s3, s0;
	s1 =	sshll.u32 s1, $0x11  }
0xbc: {  	s0 =	sor.u32 s1, s0  }
0xbd: {  	s0 =	sadd.s32 $0x8F2B, s0  }
0xbe: {  	[sflag:s0] =	ssyncadd.remote.s32 $0x1  }
0xbf: {  	_ =	sfence.sel $0xFFFF  }
0xc0: {  	[dreg:$0x0] =	wrdreg $0xFFFFFFFF;
	(pc) =	sbr.abs _section_cstart, $3  }
0xc1: {  	[dreg:$0x1] =	wrdreg $0xFFFFFFFF  }
0xc2: {  	_ =	task.clear_ibuf [dreg:s7], $0x2FFFF;
	_ =	strace $0x9FFFFFFF  }
0xc3: {  	(tm) =	ssettm $0x7FFFFFFF  }
tec
execute0_lowered:
.L_overlay_start_1:
0x0: {  	(tag) =	ssettag $0x1  }
0x1: {  	s1 =	rddreg [dreg:$0x0]  }
0x2: {  	s0 =	rddreg [dreg:$0x1];
	s3 =	srdreg.scid  }
0x3: {  	s4 =	stileid.u32;
	s2 =	rddreg [dreg:$0x2]  }
0x4: {  	s28 =	simm.s32 $0x19140;
	s29 =	simm.s32 $0x7;
	s5 =	sand.u32 $0x1, s3  }
0x5: {  	s6 =	sshll.u32 s4, $0x1;
	s3 =	simm.s32 $0x0;
	s8 =	smul.u32 $0x32000, s4  }
0x6: {  	s9 =	sadd.s32 $0xA00, s1;
	s11 =	sadd.s32 $0x14400, s1;
	s21 =	smul.u32 $0x190000, s4  }
0x7: {  	p0 =	sne.s32 s4, $0x0;
	s6 =	sor.u32 s5, s6;
	s10 =	smul.u32 $0x19000, s5  }
0x8: {  	[smem:$0x7FF] =	sst s3;
	s31 =	ssub.s32 $0x2, s5;
	s5 =	smul.u32 $0xC8000, s5  }
0x9: {  	s7 =	smul.u32 $0x19000, s6;
	_ =	strace $0x80000047;
	s12 =	sshrl.u32 s31, $0x1  }
0xa: {  	[dreg:$0x8] =	wrdreg s9;
	s6 =	smul.u32 $0xC8000, s6;
	s1 =	ssub.s32 s31, s12  }
0xb: {  	s8 =	sadd.s32 s10, s8;
	s25 =	sadd.s32 s5, s21;
	s12 =	simm.s32 $0x9C40  }
0xc: {  	s21 =	simm.s32 $0xA000;
	s5 =	simm.s32 $0x0;
	s7 =	sshrl.u32 s7, $0x3  }
0xd: {  	s6 =	sadd.s32 s0, s6;
	s13 =	sor.u32 $0x500, s8;
	s15 =	sor.u32 $0x3C0, s8  }
0xe: {  	s1 =	smax.u32 s1, $0x1;
	s19 =	sor.u32 $0x280, s8;
	s24 =	sor.u32 $0x140, s8  }
0xf: {  	[dreg:$0xd] =	wrdreg s25;
	s25 =	simm.s32 $0x9;
	s7 =	sadd.s32 s11, s7  }
0x10: {  	s6 =	sadd.s32 $0xC7600, s6;
	s14 =	sshrl.u32 s13, $0x3;
	[dreg:$0xb] =	wrdreg s1  }
0x11: {  	s17 =	sshrl.u32 s15, $0x3;
	s20 =	sshrl.u32 s19, $0x3;
	s26 =	sshll.u32 s24, $0x3  }
0x12: {  	s1 =	sshrl.u32 @!p0 s2, $0x3;
	s13 =	simm.s32 $0x9D80;
	[dreg:$0x9] =	wrdreg s7  }
0x13: {  	s15 =	simm.s32 $0x140;
	[dreg:$0xa] =	wrdreg s6;
	s16 =	sadd.s32 s14, s11  }
0x14: {  	s18 =	sadd.s32 s17, s11;
	s6 =	sshll.u32 s19, $0x3;
	s22 =	sadd.s32 s20, s11  }
0x15: {  	s30 =	sadd.s32 s26, s0;
	[dreg:$0xf] =	wrdreg s1;
	s14 =	simm.s32 $0x1  }
0x16: {  	s17 =	simm.s32 $0x9EC0;
	s19 =	simm.s32 $0xF140;
	[dreg:$0x4] =	wrdreg s16  }
0x17: {  	s20 =	simm.s32 $0x5;
	s26 =	simm.s32 $0x4;
	[dreg:$0x5] =	wrdreg s18  }
0x18: {  	s23 =	sadd.s32 s6, s0;
	[dreg:$0x6] =	wrdreg s22;
	s6 =	sshrl.u32 s24, $0x3  }
0x19: {  	[dreg:$0xe] =	wrdreg s30;
	s16 =	simm.s32 $0xA140;
	s18 =	simm.s32 $0x2  }
0x1a: {  	s22 =	simm.s32 $0x3;
	[dreg:$0xc] =	wrdreg s23;
	s31 =	sadd.s32 s6, s11  }
0x1b: {  	s24 =	simm.s32 $0x6;
	s23 =	simm.s32 $0x14140;
	[dreg:$0x7] =	wrdreg s31  }
.LBB2_1:
0x1c: {  	[dreg:$0x10] =	wrdreg s5  }
0x1d: {  	s1 =	rddreg [dreg:$0x8]  }
0x1e: {  	s4 =	simm.s32 @!p0 $0x1C0D;
	s5 =	rddreg [dreg:$0xf]  }
0x1f: {  	[spmem:s5], [sflag:s4] =	dma.local @!p0 [hbm:s1], $0x13880  }
0x20: {  	s4 =	simm.s32 @!p0 $0xD  }
0x21: {  	_ =	swait.ge @!p0 [sflag:s4], $0x13880  }
0x22: {  	[sflag:s4] =	ssyncset.done @!p0 $0x0  }
0x23: {  	[sflag:s4] =	ssyncadd.s32 @!p0 $0xFFFEC780  }
0x24: {  	p1 =	por $0x1, $0x1;
	[bflag:$0x0] =	sbarrier.arrive $0xFFFF  }
0x25: {  	s4 =	simm.s32 @!p1 $0xA;
	s5 =	rddreg [dreg:$0x9]  }
0x26: {  	[tilespmem:s12], [sflag:$0x1] =	stream.linear.gather [hbm4b:s5+s3], $0x140, $0x38;
	[tilespmem:$0x1E140] =	vst v63  }
0x27: {  	_ =	swait.ge @!p1 [sflag:s4], $0x5000  }
0x28: {  	s6 =	rddreg [dreg:$0x7];
	[sflag:s4] =	ssyncset.done @!p1 $0x0  }
0x29: {  	[sflag:s4] =	ssyncadd.s32 @!p1 $0xFFFFB000;
	s6 =	sadd.s32 $0x0, s6  }
0x2a: {  	[tilespmem:s13], [sflag:$0x2] =	stream.linear.gather [hbm4b:s6+s3], $0x140, $0x38;
	[tilespmem:$0x1E140] =	vst v63  }
0x2b: {  	_ =	swait.ge [sflag:s14], $0x140  }
0x2c: {  	[sflag:s14] =	ssyncset.done $0x0  }
0x2d: {  	s4 =	simm.s32 @!p1 $0x8;
	s1 =	rddreg [dreg:$0xd];
	[sflag:s14] =	ssyncadd.s32 $0xFFFFFEC0  }
0x2e: {  	[tilespmem:s16], [sflag:$0x5] =	stream.indirect.gather [spmem:s2], $0x40, s12, s15, $0xb8;
	[tilespmem:$0x1E140] =	vst v63  }
0x2f: {  	s7 =	simm.s32 @!p1 $0x19140;
	s6 =	sadd.s32 @!p1 $0xFFFFF600, s1;
	_ =	swait.ge @!p1 [sflag:s4], $0x5000  }
0x30: {  	s8 =	simm.s32 @!p1 $0x0;
	s6 =	sand.u32 @!p1 $0x1FFFFE00, s6;
	[sflag:s4] =	ssyncset.done @!p1 $0x0  }
0x31: {  	s6 =	sadd.s32 @!p1 s0, s6;
	[sflag:s4] =	ssyncadd.s32 @!p1 $0xFFFFB000;
	s4 =	simm.s32 @!p1 $0xB  }
0x32: {  	[hbm4b:s6+s8] =	stream.linear.scatter @!p1 [tilespmem:s7], [sflag:$0xC], $0x5000, $0x38;
	[tilespmem:$0x1E140] =	vst v63  }
0x33: {  	_ =	swait.ge @!p1 [sflag:s4], $0x5000  }
0x34: {  	s7 =	rddreg [dreg:$0x6];
	[sflag:s4] =	ssyncset.done @!p1 $0x0  }
0x35: {  	[sflag:s4] =	ssyncadd.s32 @!p1 $0xFFFFB000;
	s8 =	sadd.s32 $0x0, s7  }
0x36: {  	[tilespmem:s17], [sflag:$0x3] =	stream.linear.gather [hbm4b:s8+s3], $0x140, $0x38;
	[tilespmem:$0x1E140] =	vst v63  }
0x37: {  	_ =	swait.ge [sflag:s18], $0x140  }
0x38: {  	[sflag:s18] =	ssyncset.done $0x0  }
0x39: {  	[sflag:s18] =	ssyncadd.s32 $0xFFFFFEC0  }
0x3a: {  	[tilespmem:s19], [sflag:$0x6] =	stream.indirect.gather [spmem:s2], $0x40, s13, s15, $0xb8;
	[tilespmem:$0x1E140] =	vst v63  }
0x3b: {  	_ =	swait.ge [sflag:s20], $0x5000  }
0x3c: {  	[sflag:s20] =	ssyncset.done $0x0  }
0x3d: {  	s9 =	sadd.s32 s1, s0;
	s6 =	simm.s32 @!p1 $0xC;
	[sflag:s20] =	ssyncadd.s32 $0xFFFFB000  }
0x3e: {  	[hbm4b:s9+s3] =	stream.linear.scatter [tilespmem:s16], [sflag:$0x9], $0x5000, $0x38;
	[tilespmem:$0x1E140] =	vst v63  }
0x3f: {  	_ =	swait.ge @!p1 [sflag:s6], $0x5000  }
0x40: {  	s10 =	rddreg [dreg:$0x5];
	[sflag:s6] =	ssyncset.done @!p1 $0x0  }
0x41: {  	[sflag:s6] =	ssyncadd.s32 @!p1 $0xFFFFB000;
	s4 =	sadd.s32 $0x0, s10  }
0x42: {  	[tilespmem:s21], [sflag:$0x4] =	stream.linear.gather [hbm4b:s4+s3], $0x140, $0x38;
	[tilespmem:$0x1E140] =	vst v63  }
0x43: {  	_ =	swait.ge [sflag:s22], $0x140  }
0x44: {  	[sflag:s22] =	ssyncset.done $0x0  }
0x45: {  	[sflag:s22] =	ssyncadd.s32 $0xFFFFFEC0  }
0x46: {  	[tilespmem:s23], [sflag:$0x7] =	stream.indirect.gather [spmem:s2], $0x40, s17, s15, $0xb8;
	[tilespmem:$0x1E140] =	vst v63  }
0x47: {  	_ =	swait.ge [sflag:s24], $0x5000  }
0x48: {  	[sflag:s24] =	ssyncset.done $0x0  }
0x49: {  	s11 =	rddreg [dreg:$0xe];
	[sflag:s24] =	ssyncadd.s32 $0xFFFFB000  }
0x4a: {  	[hbm4b:s11+s3] =	stream.linear.scatter [tilespmem:s19], [sflag:$0xA], $0x5000, $0x38;
	[tilespmem:$0x1E140] =	vst v63  }
0x4b: {  	p1 =	por $0x0, $0x0;
	_ =	swait.ge [sflag:s25], $0x5000  }
0x4c: {  	s6 =	simm.s32 @!p1 $0x0;
	s4 =	rddreg [dreg:$0x4];
	[sflag:s25] =	ssyncset.done $0x0  }
0x4d: {  	s7 =	simm.s32 @!p1 $0x9C40;
	[sflag:s25] =	ssyncadd.s32 $0xFFFFB000;
	s4 =	sadd.s32 @!p1 $0x0, s4  }
0x4e: {  	[tilespmem:s7], [sflag:$0x1] =	stream.linear.gather @!p1 [hbm4b:s4+s6], $0x140, $0x38;
	[tilespmem:$0x1E140] =	vst v63  }
0x4f: {  	_ =	swait.ge [sflag:s26], $0x140  }
0x50: {  	[sflag:s26] =	ssyncset.done $0x0  }
0x51: {  	[sflag:s26] =	ssyncadd.s32 $0xFFFFFEC0  }
0x52: {  	[tilespmem:s28], [sflag:$0x8] =	stream.indirect.gather [spmem:s2], $0x40, s21, s15, $0xb8;
	[tilespmem:$0x1E140] =	vst v63  }
0x53: {  	s31 =	simm.s32 $0x140;
	_ =	swait.ge [sflag:s29], $0x5000  }
0x54: {  	s30 =	sadd.s32 $0x2800, s1;
	s11 =	sadd.s32 $0x2800, s11;
	s8 =	rddreg [dreg:$0xc]  }
0x55: {  	s7 =	simm.s32 $0xA0;
	p1 =	por $0x0, $0x0;
	s6 =	sadd.s32 $0x2800, s8  }
.LBB2_2:
0x56: {  	[sflag:s29] =	ssyncset.done $0x0  }
0x57: {  	s1 =	simm.s32 @!p1 $0xA;
	[sflag:s29] =	ssyncadd.s32 $0xFFFFB000  }
0x58: {  	[hbm4b:s8+s3] =	stream.linear.scatter [tilespmem:s23], [sflag:$0xB], $0x5000, $0x38;
	[tilespmem:$0x1E140] =	vst v63  }
0x59: {  	_ =	swait.ge @!p1 [sflag:s1], $0x5000  }
0x5a: {  	[sflag:s1] =	ssyncset.done @!p1 $0x0;
	s10 =	rddreg [dreg:$0x7]  }
0x5b: {  	[sflag:s1] =	ssyncadd.s32 @!p1 $0xFFFFB000;
	s9 =	sadd.s32 s7, s10  }
0x5c: {  	[tilespmem:s13], [sflag:$0x2] =	stream.linear.gather [hbm4b:s9+s3], $0x140, $0x38;
	[tilespmem:$0x1E140] =	vst v63  }
0x5d: {  	_ =	swait.ge [sflag:s14], $0x140  }
0x5e: {  	[sflag:s14] =	ssyncset.done $0x0  }
0x5f: {  	s1 =	simm.s32 @!p1 $0x8;
	[sflag:s14] =	ssyncadd.s32 $0xFFFFFEC0  }
0x60: {  	[tilespmem:s16], [sflag:$0x5] =	stream.indirect.gather [spmem:s2], $0x40, s12, s15, $0xb8;
	[tilespmem:$0x1E140] =	vst v63  }
0x61: {  	s5 =	simm.s32 @!p1 $0x0;
	s10 =	sadd.s32 @!p1 $0xFFFFF600, s30;
	_ =	swait.ge @!p1 [sflag:s1], $0x5000  }
0x62: {  	s10 =	sand.u32 @!p1 $0x1FFFFE00, s10;
	s9 =	simm.s32 @!p1 $0x19140;
	[sflag:s1] =	ssyncset.done @!p1 $0x0  }
0x63: {  	s10 =	sadd.s32 @!p1 s0, s10;
	[sflag:s1] =	ssyncadd.s32 @!p1 $0xFFFFB000;
	s1 =	simm.s32 @!p1 $0xB  }
0x64: {  	[hbm4b:s10+s5] =	stream.linear.scatter @!p1 [tilespmem:s9], [sflag:$0xC], $0x5000, $0x38;
	[tilespmem:$0x1E140] =	vst v63  }
0x65: {  	_ =	swait.ge @!p1 [sflag:s1], $0x5000  }
0x66: {  	[sflag:s1] =	ssyncset.done @!p1 $0x0;
	s10 =	rddreg [dreg:$0x6]  }
0x67: {  	[sflag:s1] =	ssyncadd.s32 @!p1 $0xFFFFB000;
	s5 =	sadd.s32 s7, s10  }
0x68: {  	[tilespmem:s17], [sflag:$0x3] =	stream.linear.gather [hbm4b:s5+s3], $0x140, $0x38;
	[tilespmem:$0x1E140] =	vst v63  }
0x69: {  	_ =	swait.ge [sflag:s18], $0x140  }
0x6a: {  	[sflag:s18] =	ssyncset.done $0x0  }
0x6b: {  	[sflag:s18] =	ssyncadd.s32 $0xFFFFFEC0  }
0x6c: {  	[tilespmem:s19], [sflag:$0x6] =	stream.indirect.gather [spmem:s2], $0x40, s13, s15, $0xb8;
	[tilespmem:$0x1E140] =	vst v63  }
0x6d: {  	_ =	swait.ge [sflag:s20], $0x5000  }
0x6e: {  	[sflag:s20] =	ssyncset.done $0x0  }
0x6f: {  	s9 =	sadd.s32 s30, s0;
	s5 =	simm.s32 @!p1 $0xC;
	[sflag:s20] =	ssyncadd.s32 $0xFFFFB000  }
0x70: {  	[hbm4b:s9+s3] =	stream.linear.scatter [tilespmem:s16], [sflag:$0x9], $0x5000, $0x38;
	[tilespmem:$0x1E140] =	vst v63  }
0x71: {  	_ =	swait.ge @!p1 [sflag:s5], $0x5000  }
0x72: {  	[sflag:s5] =	ssyncset.done @!p1 $0x0;
	s10 =	rddreg [dreg:$0x5]  }
0x73: {  	[sflag:s5] =	ssyncadd.s32 @!p1 $0xFFFFB000;
	s1 =	sadd.s32 s7, s10  }
0x74: {  	[tilespmem:s21], [sflag:$0x4] =	stream.linear.gather [hbm4b:s1+s3], $0x140, $0x38;
	[tilespmem:$0x1E140] =	vst v63  }
0x75: {  	_ =	swait.ge [sflag:s22], $0x140  }
0x76: {  	[sflag:s22] =	ssyncset.done $0x0  }
0x77: {  	[sflag:s22] =	ssyncadd.s32 $0xFFFFFEC0  }
0x78: {  	[tilespmem:s23], [sflag:$0x7] =	stream.indirect.gather [spmem:s2], $0x40, s17, s15, $0xb8;
	[tilespmem:$0x1E140] =	vst v63  }
0x79: {  	_ =	swait.ge [sflag:s24], $0x5000  }
0x7a: {  	[sflag:s24] =	ssyncset.done $0x0  }
0x7b: {  	s4 =	smov.u32 s31;
	s31 =	sadd.s32 $0xA0, s31;
	[sflag:s24] =	ssyncadd.s32 $0xFFFFB000  }
0x7c: {  	[hbm4b:s11+s3] =	stream.linear.scatter [tilespmem:s19], [sflag:$0xA], $0x5000, $0x38;
	[tilespmem:$0x1E140] =	vst v63  }
0x7d: {  	p2 =	sne.s32 s31, $0x3200;
	p1 =	seq.s32 s7, $0x3160;
	_ =	swait.ge [sflag:s25], $0x5000  }
0x7e: {  	s5 =	simm.s32 @!p1 $0x0;
	s1 =	rddreg [dreg:$0x4];
	[sflag:s25] =	ssyncset.done $0x0  }
0x7f: {  	s9 =	simm.s32 @!p1 $0x9C40;
	[sflag:s25] =	ssyncadd.s32 $0xFFFFB000;
	s1 =	sadd.s32 @!p1 s7, s1  }
0x80: {  	[tilespmem:s9], [sflag:$0x1] =	stream.linear.gather @!p1 [hbm4b:s1+s5], $0x140, $0x38;
	[tilespmem:$0x1E140] =	vst v63  }
.Ltmp0:
0x81: {  	_ =	swait.ge [sflag:s26], $0x140;
	(pc) =	sbr.rel @p2 .LBB2_2-.Ltmp0, $4  }
0x82: {  	s8 =	smov.u32 s6;
	s6 =	sadd.s32 $0x2800, s6;
	[sflag:s26] =	ssyncset.done $0x0  }
0x83: {  	s30 =	sadd.s32 $0x2800, s30;
	s7 =	smov.u32 s4;
	[sflag:s26] =	ssyncadd.s32 $0xFFFFFEC0  }
0x84: {  	[tilespmem:s28], [sflag:$0x8] =	stream.indirect.gather [spmem:s2], $0x40, s21, s15, $0xb8;
	[tilespmem:$0x1E140] =	vst v63  }
0x85: {  	s11 =	sadd.s32 $0x2800, s11;
	p1 =	seq.s32 s7, $0x0;
	_ =	swait.ge [sflag:s29], $0x5000  }
0x86: {  	[sflag:s29] =	ssyncset.done $0x0  }
0x87: {  	s1 =	simm.s32 @!p1 $0xA;
	[sflag:s29] =	ssyncadd.s32 $0xFFFFB000  }
0x88: {  	[hbm4b:s8+s3] =	stream.linear.scatter [tilespmem:s23], [sflag:$0xB], $0x5000, $0x38;
	[tilespmem:$0x1E140] =	vst v63  }
0x89: {  	_ =	swait.ge @!p1 [sflag:s1], $0x5000  }
0x8a: {  	s4 =	rddreg [dreg:$0x7];
	[sflag:s1] =	ssyncset.done @!p1 $0x0  }
0x8b: {  	[sflag:s1] =	ssyncadd.s32 @!p1 $0xFFFFB000;
	s8 =	sadd.s32 s7, s4  }
0x8c: {  	[tilespmem:s13], [sflag:$0x2] =	stream.linear.gather [hbm4b:s8+s3], $0x140, $0x38;
	[tilespmem:$0x1E140] =	vst v63  }
0x8d: {  	_ =	swait.ge [sflag:s14], $0x140  }
0x8e: {  	[sflag:s14] =	ssyncset.done $0x0  }
0x8f: {  	s1 =	simm.s32 @!p1 $0x8;
	[sflag:s14] =	ssyncadd.s32 $0xFFFFFEC0  }
0x90: {  	[tilespmem:s16], [sflag:$0x5] =	stream.indirect.gather [spmem:s2], $0x40, s12, s15, $0xb8;
	[tilespmem:$0x1E140] =	vst v63  }
0x91: {  	s4 =	sadd.s32 @!p1 $0xFFFFF600, s30;
	_ =	swait.ge @!p1 [sflag:s1], $0x5000  }
0x92: {  	s5 =	simm.s32 @!p1 $0x19140;
	s4 =	sand.u32 @!p1 $0x1FFFFE00, s4;
	[sflag:s1] =	ssyncset.done @!p1 $0x0  }
0x93: {  	s4 =	sadd.s32 @!p1 s0, s4;
	[sflag:s1] =	ssyncadd.s32 @!p1 $0xFFFFB000;
	s1 =	simm.s32 @!p1 $0x0  }
0x94: {  	[hbm4b:s4+s1] =	stream.linear.scatter @!p1 [tilespmem:s5], [sflag:$0xC], $0x5000, $0x38;
	[tilespmem:$0x1E140] =	vst v63  }
0x95: {  	s1 =	simm.s32 @!p1 $0xB  }
0x96: {  	_ =	swait.ge @!p1 [sflag:s1], $0x5000  }
0x97: {  	s9 =	rddreg [dreg:$0x6];
	[sflag:s1] =	ssyncset.done @!p1 $0x0  }
0x98: {  	[sflag:s1] =	ssyncadd.s32 @!p1 $0xFFFFB000;
	s10 =	sadd.s32 s7, s9  }
0x99: {  	[tilespmem:s17], [sflag:$0x3] =	stream.linear.gather [hbm4b:s10+s3], $0x140, $0x38;
	[tilespmem:$0x1E140] =	vst v63  }
0x9a: {  	_ =	swait.ge [sflag:s18], $0x140  }
0x9b: {  	[sflag:s18] =	ssyncset.done $0x0  }
0x9c: {  	[sflag:s18] =	ssyncadd.s32 $0xFFFFFEC0  }
0x9d: {  	[tilespmem:s19], [sflag:$0x6] =	stream.indirect.gather [spmem:s2], $0x40, s13, s15, $0xb8;
	[tilespmem:$0x1E140] =	vst v63  }
0x9e: {  	_ =	swait.ge [sflag:s20], $0x5000  }
0x9f: {  	[sflag:s20] =	ssyncset.done $0x0  }
0xa0: {  	s31 =	sadd.s32 s30, s0;
	s4 =	simm.s32 @!p1 $0xC;
	[sflag:s20] =	ssyncadd.s32 $0xFFFFB000  }
0xa1: {  	[hbm4b:s31+s3] =	stream.linear.scatter [tilespmem:s16], [sflag:$0x9], $0x5000, $0x38;
	[tilespmem:$0x1E140] =	vst v63  }
0xa2: {  	_ =	swait.ge @!p1 [sflag:s4], $0x5000  }
0xa3: {  	s5 =	rddreg [dreg:$0x5];
	[sflag:s4] =	ssyncset.done @!p1 $0x0  }
0xa4: {  	[sflag:s4] =	ssyncadd.s32 @!p1 $0xFFFFB000;
	s1 =	sadd.s32 s7, s5  }
0xa5: {  	[tilespmem:s21], [sflag:$0x4] =	stream.linear.gather [hbm4b:s1+s3], $0x140, $0x38;
	[tilespmem:$0x1E140] =	vst v63  }
0xa6: {  	_ =	swait.ge [sflag:s22], $0x140  }
0xa7: {  	[sflag:s22] =	ssyncset.done $0x0  }
0xa8: {  	[sflag:s22] =	ssyncadd.s32 $0xFFFFFEC0  }
0xa9: {  	[tilespmem:s23], [sflag:$0x7] =	stream.indirect.gather [spmem:s2], $0x40, s17, s15, $0xb8;
	[tilespmem:$0x1E140] =	vst v63  }
0xaa: {  	_ =	swait.ge [sflag:s24], $0x5000  }
0xab: {  	[sflag:s24] =	ssyncset.done $0x0  }
0xac: {  	[sflag:s24] =	ssyncadd.s32 $0xFFFFB000  }
0xad: {  	[hbm4b:s11+s3] =	stream.linear.scatter [tilespmem:s19], [sflag:$0xA], $0x5000, $0x38;
	[tilespmem:$0x1E140] =	vst v63  }
0xae: {  	p1 =	seq.s32 s7, $0x3160;
	_ =	swait.ge [sflag:s25], $0x5000  }
0xaf: {  	s4 =	simm.s32 @!p1 $0x0;
	s1 =	rddreg [dreg:$0x4];
	[sflag:s25] =	ssyncset.done $0x0  }
0xb0: {  	s5 =	simm.s32 @!p1 $0x9C40;
	[sflag:s25] =	ssyncadd.s32 $0xFFFFB000;
	s1 =	sadd.s32 @!p1 s7, s1  }
0xb1: {  	[tilespmem:s5], [sflag:$0x1] =	stream.linear.gather @!p1 [hbm4b:s1+s4], $0x140, $0x38;
	[tilespmem:$0x1E140] =	vst v63  }
0xb2: {  	_ =	swait.ge [sflag:s26], $0x140  }
0xb3: {  	[sflag:s26] =	ssyncset.done $0x0  }
0xb4: {  	[sflag:s26] =	ssyncadd.s32 $0xFFFFFEC0  }
0xb5: {  	[tilespmem:s28], [sflag:$0x8] =	stream.indirect.gather [spmem:s2], $0x40, s21, s15, $0xb8;
	[tilespmem:$0x1E140] =	vst v63  }
0xb6: {  	_ =	swait.ge [sflag:s29], $0x5000  }
0xb7: {  	[sflag:s29] =	ssyncset.done $0x0  }
0xb8: {  	s7 =	simm.s32 $0x8;
	[sflag:s29] =	ssyncadd.s32 $0xFFFFB000  }
0xb9: {  	[hbm4b:s6+s3] =	stream.linear.scatter [tilespmem:s23], [sflag:$0xB], $0x5000, $0x38;
	[tilespmem:$0x1E140] =	vst v63  }
0xba: {  	_ =	swait.ge [sflag:s7], $0x5000  }
0xbb: {  	[sflag:s7] =	ssyncset.done $0x0  }
0xbc: {  	s9 =	simm.s32 $0xA;
	s8 =	rddreg [dreg:$0xa];
	[sflag:s7] =	ssyncadd.s32 $0xFFFFB000  }
0xbd: {  	[hbm4b:s8+s3] =	stream.linear.scatter [tilespmem:s28], [sflag:$0xC], $0x5000, $0x38;
	[tilespmem:$0x1E140] =	vst v63  }
0xbe: {  	_ =	swait.ge [sflag:s9], $0x5000  }
0xbf: {  	[sflag:s9] =	ssyncset.done $0x0  }
0xc0: {  	s10 =	simm.s32 $0xB;
	[sflag:s9] =	ssyncadd.s32 $0xFFFFB000  }
0xc1: {  	_ =	swait.ge [sflag:s10], $0x5000  }
0xc2: {  	[sflag:s10] =	ssyncset.done $0x0  }
0xc3: {  	s11 =	simm.s32 $0xC;
	[sflag:s10] =	ssyncadd.s32 $0xFFFFB000  }
0xc4: {  	_ =	swait.ge [sflag:s11], $0x5000  }
0xc5: {  	s30 =	rddreg [dreg:$0x10]  }
0xc6: {  	s31 =	rddreg [dreg:$0xb];
	s5 =	sadd.s32 $0x1, s30  }
0xc7: {  	p1 =	sne.s32 s5, s31  }
.Ltmp1:
0xc8: {  	_ = 	snop;
	(pc) =	sbr.rel @p1 .LBB2_1-.Ltmp1, $3  }
0xc9: {  	_ =	sdelay $0x1  }
0xca: {  	[sflag:s11] =	ssyncset.done $0x0  }
0xcb: {  	[sflag:s11] =	ssyncadd.s32 $0xFFFFB000  }
0xcc: {  	_ =	sfence.sel $0x180000  }
0xcd: {  	[bflag:$0x0] =	sbarrier.arrive $0xFFFF  }
0xce: {  	_ =	strace $0x90000047  }
0xcf: {  	[bflag:$0x2] =	sbarrier.arrive $0xFFFF  }
0xd0: {  	s0 =	rddreg [dreg:$0x3]  }
0xd1: {  	s0 =	sadd.s32 @!p0 $0x100000, s0  }
0xd2: {  	[sflag:s0] =	ssyncadd.tile.s32 @!p0 $0x1;
	_ =	shalt  }
.Lfunc_end2:
_tile_overlayer_lowered:
.L_overlay_start_2:
0xd3: {  	(tag) =	ssettag $0x2  }
0xd4: {  	s0 =	rddreg [dreg:$0x0];
	s2 =	stileid.u32  }
0xd5: {  	s1 =	rddreg [dreg:$0x1];
	p0 =	sne.s32 s2, $0x0  }
0xd6: {  	s3 =	rddreg [dreg:$0x2];
	[bflag:$0x3] =	sbarrier.arrive $0xFFFF;
	s2 =	simm.s32 @!p0 $0x1C0D  }
0xd7: {  	[timem:s3], [sflag:s2] =	dma.local @!p0 [hbm:s0], s1  }
0xd8: {  	s0 =	simm.s32 @!p0 $0xD  }
0xd9: {  	_ =	swait.ge @!p0 [sflag:s0], s1  }
0xda: {  	s1 =	ssub.s32 @!p0 $0x0, s1;
	[sflag:s0] =	ssyncset.done @!p0 $0x0  }
0xdb: {  	[sflag:s0] =	ssyncadd.s32 @!p0 s1  }
0xdc: {  	[bflag:$0x3] =	sbarrier.arrive $0xFFFF  }
0xdd: {  	_ =	shalt  }

// kernel: sparse-core-data-format-call.cloned.1.call-start
scs
called_computation_lowered:
.L_overlay_start_0:
0x0: {  	s2 =	sld [smem:$0x3FD9]  }
0x1: {  	s3 =	sld [smem:$0x3FFE];
	_ =	sdelay $0x1  }
0x2: {  	s1 =	srdreg.scid  }
0x3: {  	s0 =	sand.u32 $0x1, s1  }
0x4: {  	s18 =	sshll.u32 s0, $0xA;
	s2 =	sadd.s32 s3, s2  }
0x5: {  	s2 =	sadd.s32 s2, s18  }
0x6: {  	[smem:$0x3FC6] =	sst s2  }
0x7: {  	_ = 	snop  }
0x8: {  	s2 =	sld [smem:$0x3FD0];
	(tm) =	ssettm $0x1  }
0x9: {  	s19 =	sld [smem:$0x3FFB];
	_ =	sdelay $0x3  }
0xa: {  	_ =	strace s19  }
0xb: {  	s3 =	sld [smem:$0x3FFC];
	_ =	sdelay $0x3  }
0xc: {  	_ =	strace s3  }
0xd: {  	s3 =	sld [smem:$0x3FFD];
	_ =	sdelay $0x3  }
0xe: {  	_ =	strace s3  }
0xf: {  	_ =	strace $0x8FFFFFFF  }
0x10: {  	s20 =	sld [smem:$0x3FDB];
	_ =	sdelay $0x1  }
0x11: {  	s4 =	simm.s32 $_scs_section_size  }
0x12: {  	s5 =	simm.s32 $_size__tile_overlayer_lowered;
	s6 =	simm.s32 $_tile_overlayer_lowered  }
0x13: {  	s23 =	simm.s32 $0x1BFF;
	s22 =	sshll.u32 s6, $0x1;
	s3 =	sadd.s32 s4, s20  }
0x14: {  	s7 =	simm.s32 $0x0;
	s21 =	sshll.u32 s5, $0x1;
	s5 =	sadd.s32 s22, s3  }
0x15: {  	[timem:s7], [sflag:s23] =	dma.local [hbm:s5], s21  }
0x16: {  	_ =	swait.ge [sflag:s23], s21  }
0x17: {  	s4 =	ssub.s32 $0x0, s21;
	[sflag:s23] =	ssyncset.done $0x0  }
0x18: {  	[sflag:s23] =	ssyncadd.s32 s4;
	_ =	sdelay $0x1  }
0x19: {  	s24 =	simm.s32 $0x1B8B  }
0x1a: {  	_ =	swait.ge [sflag:s24], $0x1  }
0x1b: {  	[sflag:s24] =	ssyncset.done $0x0  }
0x1c: {  	s26 =	simm.s32 $0x1B8E;
	s25 =	sld [smem:$0x3FFE];
	[sflag:s24] =	ssyncadd.s32 $0xFFFFFFFF  }
0x1d: {  	s27 =	simm.s32 $execute0_lowered;
	[smem:$0x3FD2] =	sst s26  }
0x1e: {  	s5 =	sshll.u32 s27, $0x1;
	_ =	strace $0x80000049;
	[dreg:$0x1] =	wrdreg $0xFFFFFFFF  }
0x1f: {  	s28 =	simm.s32 $_size_execute0_lowered;
	s3 =	sadd.s32 s3, s5;
	[dreg:$0x0] =	wrdreg $0x0  }
0x20: {  	s5 =	sshll.u32 s28, $0x1;
	[dreg:$0x2] =	wrdreg s3  }
0x21: {  	[dreg:$0x3] =	wrdreg s5  }
0x22: {  	[dreg:$0x4] =	wrdreg $0xC0  }
0x23: {  	_ =	task [dreg:s7], $0x5FFFF  }
0x24: {  	[dreg:$0x1] =	wrdreg $0xFFFFFFFF  }
0x25: {  	[dreg:$0x0] =	wrdreg $0x60  }
0x26: {  	[dreg:$0x2] =	wrdreg s25  }
0x27: {  	[dreg:$0x3] =	wrdreg s2  }
0x28: {  	[dreg:$0x4] =	wrdreg $0x9  }
0x29: {  	_ =	task.clear_ibuf [dreg:s7], $0x5FFFF;
	_ =	strace $0x90000049  }
0x2a: {  	s29 =	simm.s32 $0x9;
	_ =	strace $0x8000004B  }
0x2b: {  	_ =	swait.ge [sflag:s29], $0x1  }
0x2c: {  	[sflag:s29] =	ssyncadd.s32 $0xFFFFFFFF  }
0x2d: {  	_ =	strace $0x9000004B  }
0x2e: {  	_ =	sfence  }
0x2f: {  	s30 =	sld [smem:$0x0];
	_ =	sdelay $0x2  }
0x30: {  	s31 =	sshll.u32 s1, $0xD;
	s1 =	sshrl.u32 s1, $0x2  }
0x31: {  	s3 =	sand.u32 $0x4000, s31;
	s1 =	sadd.s32 s1, s30  }
0x32: {  	s0 =	sor.u32 s3, s0;
	s1 =	sshll.u32 s1, $0x11  }
0x33: {  	s0 =	sor.u32 s1, s0  }
0x34: {  	s0 =	sadd.s32 $0x8F2B, s0  }
0x35: {  	[sflag:s0] =	ssyncadd.remote.s32 $0x1  }
0x36: {  	_ =	sfence.sel $0xFFFF  }
0x37: {  	[dreg:$0x0] =	wrdreg $0xFFFFFFFF;
	(pc) =	sbr.abs _section_cstart, $3  }
0x38: {  	[dreg:$0x1] =	wrdreg $0xFFFFFFFF  }
0x39: {  	_ =	task.clear_ibuf [dreg:s7], $0x2FFFF;
	_ =	strace $0x9FFFFFFF  }
0x3a: {  	(tm) =	ssettm $0x7FFFFFFF  }
0x3b: {  	_ =	shalt  }
tec
execute0_lowered:
.L_overlay_start_1:
0x0: {  	(tag) =	ssettag $0x1  }
0x1: {  	s0 =	srdreg.scid  }
0x2: {  	s1 =	sshll.u32 s0, $0x4  }
0x3: {  	s0 =	stileid.u32;
	s1 =	sand.u32 $0x10, s1  }
0x4: {  	s1 =	sor.u32 s0, s1  }
0x5: {  	s6 =	rddreg [dreg:$0x0];
	s4 =	simm.s32 $0x1;
	s2 =	sshll.u32 s1, $0x7  }
0x6: {  	s7 =	simm.s32 $0x2;
	s12 =	simm.s32 $0x0;
	s1 =	ssub.s32 $0x4000, s2  }
0x7: {  	s8 =	simm.s32 $0x20000;
	s13 =	simm.s32 $0x0;
	s3 =	sand.u32 $0xF80, s1  }
0x8: {  	s9 =	simm.s32 $0x0;
	s5 =	sshrl.u32 s1, $0xC;
	p0 =	sne.s32 s3, $0x0  }
.Ltmp0:
0x9: {  	s1 =	rddreg [dreg:$0x2];
	s4 =	simm.s32 @!p0 $0x0;
	(pc) =	sbr.rel .LBB1_1-.Ltmp0, $4  }
0xa: {  	s11 =	simm.s32 $0x0;
	s3 =	rddreg [dreg:$0x1];
	s5 =	sadd.s32 s4, s5  }
0xb: {  	_ =	strace $0x8000004A;
	s4 =	simm.s32 $0x1;
	s5 =	smul.u32 $0xC8, s5  }
0xc: {  	s6 =	sadd.s32 $0xA00, s6;
	s10 =	smov.u32 s2;
	[sflag:s4] =	ssyncpa.u1 $0x0  }
0xd: {  	p0 =	por $0x0, $0x0;
	[sflag:s7] =	ssyncpa.u1 $0x0;
	s7 =	sor.u32 $0x1, s5  }
.LBB1_4:
0xe: {  	s16 =	sshll.u32 s13, $0x3;
	s17 =	sand.u32 $0x78, s13  }
0xf: {  	s30 =	sand.u32 $0x1F800, s13;
	s12 =	sshll.u32 s12, $0x11;
	s16 =	sand.u32 $0x3C00, s16  }
0x10: {  	[tilespmem:s15+$0x810 ss:$0x81] =	vst.msk $0xffff, v2;
	s31 =	sand.u32 $0x7, s13;
	s16 =	sor.u32 s17, s16;
	s17 =	sadd.s32 s3, s30  }
0x11: {  	[tilespmem:s15+$0x1020 ss:$0x81] =	vst.msk $0xffff, v0;
	s13 =	sshll.u32 s31, $0x12;
	s12 =	sadd.s32 s12, s17;
	s16 =	sshrl.u32 s16, $0x3  }
0x12: {  	[tilespmem:s15+$0x0 ss:$0x81] =	vst.msk $0xffff, v1;
	s13 =	sor.u32 $0x400, s13;
	s12 =	sadd.s32 s16, s12  }
0x13: {  	[hbm4b:s12+s13] =	stream.strided.scatter [tilespmem:s14], [sflag:$0x2], $0x2000, s8, s13, $0x20;
	[tilespmem:$0x8080] =	vst v63  }
.LBB1_5:
0x14: {  	s14 =	sadd.s32 $0x1, s9  }
0x15: {  	s12 =	sadd.s32 $0x1000, s10;
	s16 =	smov.u32 s10;
	p2 =	sgt.s32 s14, $0xC7  }
0x16: {  	s16 =	smov.u32 @p2 s12  }
0x17: {  	s14 =	simm.s32 @p2 $0x0;
	p2 =	sgt.s32 s16, $0x3FFF  }
0x18: {  	s16 =	smov.u32 @p2 s2;
	p2 =	sne.s32 s11, s7  }
.Ltmp1:
0x19: {  	p1 =	slt.u32 s11, $0x2;
	(pc) =	sbr.rel @!p2 .LBB1_6-.Ltmp1, $4  }
0x1a: {  	s15 =	simm.s32 @!p1 $0x2  }
0x1b: {  	s13 =	smov.u32 s10;
	p0 =	por !p0, !p0;
	_ =	swait.ge @!p1 [sflag:s15], $0x2000  }
0x1c: {  	s12 =	smov.u32 s9;
	[sflag:s15] =	ssyncset.done @!p1 $0x0;
	s9 =	smov.u32 s14  }
0x1d: {  	s11 =	sadd.s32 $0x1, s11;
	[sflag:s15] =	ssyncadd.s32 @!p1 $0xFFFFE000;
	s10 =	smov.u32 s16  }
.LBB1_1:
0x1e: {  	p1 =	sge.u32 s11, s5  }
0x1f: {  	s14 =	sand.u32 @!p1 $0x1FFFFFF, s9  }
0x20: {  	s15 =	smulhi.u32 @!p1 $0x147AE15, s14;
	_ =	sdelay $0x1  }
0x21: {  	s15 =	smul.u32 @!p1 $0xC8, s15  }
0x22: {  	s16 =	sxor.u32 @!p1 $0xFFFFFFFF, s11;
	s17 =	smul.u32 @!p1 $0xC80, s10  }
0x23: {  	s31 =	sadd.s32 $0xFFFFFFFF, s11;
	s16 =	sshll.u32 @!p1 s16, $0xD;
	s14 =	ssub.s32 @!p1 s14, s15  }
0x24: {  	s15 =	sand.u32 @!p1 $0x2000, s16;
	s16 =	sadd.s32 @!p1 s6, s17;
	s14 =	sshll.u32 @!p1 s14, $0x4  }
0x25: {  	s17 =	simm.s32 @!p1 $0x6400;
	s14 =	sadd.s32 @!p1 s14, s16;
	s16 =	simm.s32 @!p1 $0x40  }
0x26: {  	[tilespmem:s15], [sflag:$0x1] =	stream.strided.gather @!p1 [hbm4b:s14+s16], $0x2000, s17, s16, $0x38;
	[tilespmem:$0x8080] =	vst v63  }
0x27: {  	p1 =	sge.u32 s31, s5  }
.Ltmp2:
0x28: {  	_ = 	snop;
	(pc) =	sbr.rel @p1 .LBB1_5-.Ltmp2, $1  }
0x29: {  	_ =	sdelay $0x3  }
0x2a: {  	s14 =	simm.s32 $0x1  }
0x2b: {  	_ =	swait.ge [sflag:s4], $0x2000;
	s14 =	simm.s32 @!p0 $0x0  }
0x2c: {  	[sflag:s4] =	ssyncset.done $0x0;
	s15 =	sshll.u32 s14, $0xD  }
0x2d: {  	[sflag:s4] =	ssyncadd.s32 $0xFFFFE000;
	s18 =	sor.u32 $0x20, s15  }
0x2e: {  	s14 =	smul.u32 $0x8100, s14;
	v3 =	vld [tilespmem:s18+$0x10]  }
0x2f: {  	s30 =	sand.u32 $0x1, s11;
	v2 =	vld [tilespmem:s18+$0xFFFFFFF0]  }
0x30: {  	s15 =	smul.u32 $0x8100, s30;
	s14 =	sshrl.u32 s14, $0x2;
	v0 =	vld [tilespmem:s18+$0x0]  }
0x31: {  	v1 =	vld [tilespmem:s18+$0xFFFFFFE0];
	s16 =	sor.u32 $0x4000, s14  }
0x32: {  	s31 =	sshrl.u32 s15, $0x2;
	s15 =	sadd.s32 $0x0, s16  }
0x33: {  	s17 =	simm.s32 $0x4;
	s18 =	sadd.s32 $0x40, s18;
	s14 =	sor.u32 $0x4000, s31;
	[tilespmem:s15+$0x1830 ss:$0x81] =	vst.msk $0xffff, v3  }
.LBB1_3:
0x34: {  	v3 =	vld [tilespmem:s18+$0x10];
	p1 =	sne.s32 s17, $0x1FC;
	[tilespmem:s15+$0x810 ss:$0x81] =	vst.msk $0xffff, v2;
	s19 =	smov.u32 s17;
	s17 =	sadd.s32 $0x4, s17  }
.Ltmp3:
0x35: {  	v2 =	vld [tilespmem:s18+$0xFFFFFFF0];
	[tilespmem:s15+$0x1020 ss:$0x81] =	vst.msk $0xffff, v0;
	(pc) =	sbr.rel @p1 .LBB1_3-.Ltmp3, $4  }
0x36: {  	v0 =	vld [tilespmem:s18+$0x0];
	[tilespmem:s15+$0x0 ss:$0x81] =	vst.msk $0xffff, v1  }
0x37: {  	s15 =	sshra.s32 s19, $0x2;
	v1 =	vld [tilespmem:s18+$0xFFFFFFE0]  }
0x38: {  	s15 =	sadd.s32 s15, s16  }
0x39: {  	s18 =	sadd.s32 $0x40, s18;
	[tilespmem:s15+$0x1830 ss:$0x81] =	vst.msk $0xffff, v3  }
.Ltmp4:
0x3a: {  	_ = 	snop;
	(pc) =	sbr.rel .LBB1_4-.Ltmp4, $1  }
0x3b: {  	_ =	sdelay $0x3  }
.LBB1_6:
0x3c: {  	_ =	sfence.sel $0x180000  }
0x3d: {  	s2 =	simm.s32 $0x1;
	[bflag:$0x0] =	sbarrier.arrive $0xFFFF  }
0x3e: {  	s31 =	simm.s32 $0x2;
	[sflag:s2] =	ssyncpa.u1 $0x1  }
0x3f: {  	[sflag:s31] =	ssyncpa.u1 $0x1  }
0x40: {  	p0 =	sne.s32 s0, $0x0;
	_ =	strace $0x9000004A  }
0x41: {  	s0 =	sadd.s32 @!p0 $0x100000, s1;
	[bflag:$0x2] =	sbarrier.arrive $0xFFFF  }
0x42: {  	[sflag:s0] =	ssyncadd.tile.s32 @!p0 $0x1;
	_ =	shalt  }
.Lfunc_end1:
_tile_overlayer_lowered:
.L_overlay_start_2:
0x43: {  	(tag) =	ssettag $0x2  }
0x44: {  	s0 =	rddreg [dreg:$0x0];
	s2 =	stileid.u32  }
0x45: {  	s1 =	rddreg [dreg:$0x1];
	p0 =	sne.s32 s2, $0x0  }
0x46: {  	s3 =	rddreg [dreg:$0x2];
	[bflag:$0x3] =	sbarrier.arrive $0xFFFF;
	s2 =	simm.s32 @!p0 $0x1C01  }
0x47: {  	[timem:s3], [sflag:s2] =	dma.local @!p0 [hbm:s0], s1  }
0x48: {  	s0 =	simm.s32 @!p0 $0x1  }
0x49: {  	_ =	swait.ge @!p0 [sflag:s0], s1  }
0x4a: {  	s1 =	ssub.s32 @!p0 $0x0, s1;
	[sflag:s0] =	ssyncset.done @!p0 $0x0  }
0x4b: {  	[sflag:s0] =	ssyncadd.s32 @!p0 s1  }
0x4c: {  	[bflag:$0x3] =	sbarrier.arrive $0xFFFF  }
0x4d: {  	_ =	shalt  }

</sc_bundles>
